<compile_context>
chip_gen: v7x
topology: tpu7x:2x2x1
jax: 0.10.2.dev20260603
libtpu: 0.0.44.dev20260713+nightly
codegen_flags: <defaults>
</compile_context>

<pallas_src>
import dataclasses
import functools

import jax
import jax.numpy as jnp
from jax import lax
from jax.experimental import pallas as pl
from jax.experimental.pallas import tpu as pltpu
from jax.experimental.pallas import tpu_sc as plsc

N = 10000
E = 320000
D = 128
NP = 10240
HALF = NP // 2
RPT = HALF // 16
CHUNK = 128
T = 160
GRP = 40
NCHP = 16 * T
EP = NCHP * CHUNK
RB = 1024
ZROW = N
ZBASE = 10048

_mesh = plsc.VectorSubcoreMesh(core_axis_name="c", subcore_axis_name="s")

_sc_params = pltpu.CompilerParams()
if "needs_layout_passes" in pltpu.CompilerParams.__dataclass_fields__:
    _sc_params = dataclasses.replace(_sc_params, needs_layout_passes=False)


@functools.partial(
    pl.kernel,
    mesh=_mesh,
    compiler_params=_sc_params,
    out_type=[
        jax.ShapeDtypeStruct((2, HALF, D), jnp.float32),
        jax.ShapeDtypeStruct((2, 16, HALF), jnp.float32),
    ],
    scratch_types=[
        pltpu.VMEM_SHARED((HALF, D), jnp.float32),
        pltpu.VMEM((GRP, CHUNK), jnp.int32),
        pltpu.VMEM((GRP, CHUNK), jnp.int32),
        pltpu.VMEM((2, CHUNK), jnp.int32),
        pltpu.VMEM((2, CHUNK), jnp.int32),
        pltpu.VMEM((2, CHUNK, D), jnp.float32),
        pltpu.VMEM((HALF,), jnp.float32),
        pltpu.SemaphoreType.DMA,
        pltpu.SemaphoreType.DMA,
    ],
)
def _sc_segment_sum(xa_hbm, src_hbm, dst_hbm, sum_hbm, cnt_hbm,
                    acc_sh, src_all, dst_all, src2_v, idx2_v, rows_v, cnt_v,
                    g0, g1):
    c = lax.axis_index("c")
    s = lax.axis_index("s")
    sem_g = [g0, g1]
    zeros16 = jnp.zeros((16,), jnp.float32)
    ones16 = jnp.ones((16,), jnp.float32)
    base = c * HALF
    row0 = s * RPT
    ch0 = s * T

    @pl.loop(0, HALF, step=16)
    def _zcnt(j):
        cnt_v[pl.ds(j, 16)] = zeros16

    @pl.loop(0, RPT, step=64)
    def _zacc(r):
        pltpu.sync_copy(xa_hbm.at[pl.ds(ZBASE, 64)],
                        acc_sh.at[pl.ds(row0 + r, 64)])

    def load_group(g):
        pltpu.sync_copy(src_hbm.at[pl.ds(ch0 + g * GRP, GRP)], src_all)
        pltpu.sync_copy(dst_hbm.at[pl.ds(ch0 + g * GRP, GRP)], dst_all)

    load_group(0)

    plsc.subcore_barrier()

    def route(i, slot):
        row = jnp.remainder(i, GRP)

        @pl.loop(0, CHUNK, step=16)
        def _r(k):
            d = dst_all[row, pl.ds(k, 16)]
            sv = src_all[row, pl.ds(k, 16)]
            local = d - base
            in_range = (local >= 0) & (local < HALF)
            src2_v[slot, pl.ds(k, 16)] = jnp.where(in_range, sv, ZROW)
            loc = jnp.where(in_range, local, 0)
            idx2_v[slot, pl.ds(k, 16)] = loc
            plsc.addupdate_scatter(cnt_v, [loc], ones16, mask=in_range)

    def fire_gather(slot):
        pltpu.async_copy(xa_hbm.at[src2_v.at[slot]], rows_v.at[slot],
                         sem_g[slot])

    def wait_gather(slot):
        pltpu.make_async_copy(xa_hbm.at[src2_v.at[slot]], rows_v.at[slot],
                              sem_g[slot]).wait()

    def sync_scatter(slot):
        pltpu.sync_copy(rows_v.at[slot], acc_sh.at[idx2_v.at[slot]],
                        add=True)

    route(0, 0)
    fire_gather(0)

    @pl.loop(0, T, step=2)
    def _pipe(j):
        for r in range(2):
            i = j + r
            nxt = 1 - r

            @pl.when(i + 1 < T)
            def _ra():
                @pl.when(jnp.remainder(i + 1, GRP) == 0)
                def _lg():
                    load_group(lax.div(i + 1, GRP))

                route(i + 1, nxt)
                fire_gather(nxt)

            wait_gather(r)
            sync_scatter(r)

    plsc.subcore_barrier()
    pltpu.sync_copy(acc_sh.at[pl.ds(row0, RPT)],
                    sum_hbm.at[c, pl.ds(row0, RPT)])
    pltpu.sync_copy(cnt_v, cnt_hbm.at[c, s])


def _tc_lin_r(x_ref, w_ref, b_ref, o_ref):
    o_ref[...] = (
        jnp.dot(x_ref[...], w_ref[...], preferred_element_type=jnp.float32)
        + b_ref[...]
    )


def _tc_combine(s_ref, c_ref, xr_ref, w_ref, o_ref):
    ones16 = jnp.ones((16, 1), jnp.float32)
    cnt_col = lax.dot_general(
        c_ref[...], ones16, (((0,), (0,)), ((), ())),
        preferred_element_type=jnp.float32,
    )
    mean = s_ref[...] / jnp.clip(cnt_col, 1.0, None)
    o_ref[...] = (
        jnp.dot(mean, w_ref[...], preferred_element_type=jnp.float32)
        + xr_ref[...]
    )


def kernel(x, edge_index, W_l, b_l, W_r):
    ei = edge_index.astype(jnp.int32)
    pad = EP - E
    src = jnp.concatenate(
        [ei[0], jnp.full((pad,), ZROW, jnp.int32)]).reshape(NCHP, CHUNK)
    dst = jnp.concatenate(
        [ei[1], jnp.full((pad,), NP - 1, jnp.int32)]).reshape(NCHP, CHUNK)

    xa = jnp.zeros((NP, D), dtype=jnp.float32).at[:N, :].set(x)

    sum_p, cnt_p = _sc_segment_sum(xa, src, dst)
    summed = sum_p.reshape(NP, D)
    cnt16 = cnt_p.transpose(1, 0, 2).reshape(16, NP)

    xr = pl.pallas_call(
        _tc_lin_r,
        grid=(NP // RB,),
        in_specs=[
            pl.BlockSpec((RB, D), lambda i: (i, 0)),
            pl.BlockSpec((D, D), lambda i: (0, 0)),
            pl.BlockSpec((1, D), lambda i: (0, 0)),
        ],
        out_specs=pl.BlockSpec((RB, D), lambda i: (i, 0)),
        out_shape=jax.ShapeDtypeStruct((NP, D), jnp.float32),
    )(xa, W_r.T, b_l.reshape(1, D))

    out = pl.pallas_call(
        _tc_combine,
        grid=(NP // RB,),
        in_specs=[
            pl.BlockSpec((RB, D), lambda i: (i, 0)),
            pl.BlockSpec((16, RB), lambda i: (0, i)),
            pl.BlockSpec((RB, D), lambda i: (i, 0)),
            pl.BlockSpec((D, D), lambda i: (0, 0)),
        ],
        out_specs=pl.BlockSpec((RB, D), lambda i: (i, 0)),
        out_shape=jax.ShapeDtypeStruct((NP, D), jnp.float32),
    )(summed, cnt16, xr, W_l.T)

    return out[:N]

# --- scband reference (transcript-rebuilt; emitter-appended) ---
"""Pipeline reference for scband-sagelayer-68195490726430 (READ-ONLY COPY).

The authoritative reference and input builder live on the scoring server;
editing this copy changes nothing except your own understanding.
"""

import jax, jax.numpy as jnp
import numpy as np

N_NODES = 10000
N_EDGES = 320000
D_IN = 128
D_OUT = 128


def setup_inputs(seed: int = 0) -> dict:
    key = jax.random.key(seed)
    k1, k2, k3, k4, k5 = jax.random.split(key, 5)
    x = jax.random.normal(k1, (N_NODES, D_IN), dtype=jnp.float32)
    edge_index = jax.random.randint(k2, (2, N_EDGES), 0, N_NODES, dtype=jnp.int64)
    # Parameters matching torch_geometric SAGEConv(in_feats, out_feats):
    #   lin_l: Linear(in, out, bias=True) applied to aggregated neighbor mean
    #   lin_r: Linear(in, out, bias=False) applied to root features
    scale = 1.0 / np.sqrt(D_IN)
    W_l = jax.random.uniform(k3, (D_OUT, D_IN), dtype=jnp.float32, minval=-scale, maxval=scale)
    b_l = jax.random.uniform(k4, (D_OUT,), dtype=jnp.float32, minval=-scale, maxval=scale)
    W_r = jax.random.uniform(k5, (D_OUT, D_IN), dtype=jnp.float32, minval=-scale, maxval=scale)
    return {"x": x, "edge_index": edge_index, "W_l": W_l, "b_l": b_l, "W_r": W_r}


def reference(x, edge_index, W_l, b_l, W_r):
    # SAGEConv with mean aggregation:
    #   out = lin_l(mean_{j in N(i)} x_j) + lin_r(x_i)
    src = edge_index[0]
    dst = edge_index[1]
    msgs = jnp.take(x, src, axis=0)                     # gather source features [E, D_IN]
    summed = jax.ops.segment_sum(msgs, dst, num_segments=N_NODES)
    counts = jax.ops.segment_sum(jnp.ones((N_EDGES,), dtype=x.dtype), dst, num_segments=N_NODES)
    mean_agg = summed / jnp.clip(counts, 1.0, None)[:, None]
    out = mean_agg @ W_l.T + b_l + x @ W_r.T
    return out

if __name__ == "__main__":
    import jax
    _d = setup_inputs()
    print(jax.jit(kernel)(*tuple(_d.values())))

</pallas_src>

<mosaic_0001>
#map = affine_map<(d0, d1) -> (0, 0)>
#map1 = affine_map<(d0, d1) -> (0, 0, 0)>
module attributes {stable_mosaic.version = 14 : i64} {
  func.func @_sc_segment_sum(%arg0: i32, %arg1: i32, %arg2: memref<10240x128xf32, #tpu.memory_space<hbm>>, %arg3: memref<2560x128xi32, #tpu.memory_space<hbm>>, %arg4: memref<2560x128xi32, #tpu.memory_space<hbm>>, %arg5: memref<2x5120x128xf32, #tpu.memory_space<hbm>>, %arg6: memref<2x16x5120xf32, #tpu.memory_space<hbm>>, %arg7: memref<5120x128xf32, #tpu.memory_space<vmem_shared>>, %arg8: memref<40x128xi32, #tpu.memory_space<vmem>>, %arg9: memref<40x128xi32, #tpu.memory_space<vmem>>, %arg10: memref<2x128xi32, #tpu.memory_space<vmem>>, %arg11: memref<2x128xi32, #tpu.memory_space<vmem>>, %arg12: memref<2x128x128xf32, #tpu.memory_space<vmem>>, %arg13: memref<5120xf32, #tpu.memory_space<vmem>>, %arg14: memref<!tpu.dma_semaphore, #tpu.memory_space<semaphore_mem>>, %arg15: memref<!tpu.dma_semaphore, #tpu.memory_space<semaphore_mem>>) attributes {dimension_semantics = [#tpu.dimension_semantics<core_parallel>, #tpu.dimension_semantics<subcore_parallel>], iteration_bounds = array<i64: 2, 16>, scalar_prefetch = 0 : i64, scratch_operands = 9 : i64, tpu.core_type = #tpu.core_type<sc_vector_subcore>, window_params = [{transform_indices = #map}, {transform_indices = #map}, {transform_indices = #map}, {transform_indices = #map1}, {transform_indices = #map1}]} {
    %broadcast_in_dim3A = arith.constant 0.000000e+00 : f32
    %broadcast_in_dim3A_0 = vector.broadcast %broadcast_in_dim3A : f32 to vector<16xf32>
    %broadcast_in_dim3A_1 = arith.constant 1.000000e+00 : f32
    %broadcast_in_dim3A_2 = vector.broadcast %broadcast_in_dim3A_1 : f32 to vector<16xf32>
    %mul3A = arith.constant 5120 : i32
    %mul3A_3 = arith.muli %arg0, %mul3A : i32
    %mul3A_4 = arith.constant 320 : i32
    %mul3A_5 = arith.muli %arg1, %mul3A_4 : i32
    %mul3A_6 = arith.constant 160 : i32
    %mul3A_7 = arith.muli %arg1, %mul3A_6 : i32
    %scan3A = arith.constant 0 : i32
    %scan3A_8 = arith.constant 320 : i32
    %scan3A_9 = arith.addi %scan3A, %scan3A_8 : i32
    %scan3A_10 = arith.constant 1 : i32
    scf.for %scan3A_52 = %scan3A to %scan3A_9 step %scan3A_10  : i32 {
      %mul3A_53 = arith.constant 16 : i32
      %mul3A_54 = arith.muli %scan3A_52, %mul3A_53 : i32
      %add3A_55 = arith.constant 0 : i32
      %add3A_56 = arith.addi %add3A_55, %mul3A_54 : i32
      %swap3A = arith.index_cast %add3A_56 : i32 to index
      %swap3A_57 = tpu.vector_load %arg13[%swap3A] {strides = array<i32>} : memref<5120xf32, #tpu.memory_space<vmem>>, vector<16xf32>,
      tpu.vector_store %arg13[%swap3A], %broadcast_in_dim3A_0 {strides = array<i32>} : memref<5120xf32, #tpu.memory_space<vmem>>, vector<16xf32>,
    }
    %scan3A_11 = arith.constant 320 : i32
    %scan3A_12 = arith.constant 0 : i32
    %scan3A_13 = arith.constant 5 : i32
    %scan3A_14 = arith.addi %scan3A_12, %scan3A_13 : i32
    %scan3A_15 = arith.constant 1 : i32
    scf.for %scan3A_52 = %scan3A_12 to %scan3A_14 step %scan3A_15  : i32 {
      %mul3A_53 = arith.constant 64 : i32
      %mul3A_54 = arith.muli %scan3A_52, %mul3A_53 : i32
      %add3A_55 = arith.constant 0 : i32
      %add3A_56 = arith.addi %add3A_55, %mul3A_54 : i32
      %add3A_57 = arith.addi %mul3A_5, %add3A_56 : i32
      "tpu.region"() ({
        %run_scoped3A = tpu.sem_alloc : memref<!tpu.dma_semaphore, #tpu.memory_space<semaphore_mem>>
        %dma_start3A_58 = arith.constant 0 : i32
        %dma_start3A_59 = tpu.memref_slice %arg7[%add3A_57, %dma_start3A_58] : memref<5120x128xf32, #tpu.memory_space<vmem_shared>> -> memref<64x128xf32, #tpu.memory_space<vmem_shared>>
        %dma_start3A_60 = arith.constant 10048 : i32
        %dma_start3A_61 = arith.constant 0 : i32
        %dma_start3A_62 = tpu.memref_slice %arg2[%dma_start3A_60, %dma_start3A_61] : memref<10240x128xf32, #tpu.memory_space<hbm>> -> memref<64x128xf32, #tpu.memory_space<hbm>>
        tpu.enqueue_dma source(%dma_start3A_62 : memref<64x128xf32, #tpu.memory_space<hbm>>) target(%dma_start3A_59 : memref<64x128xf32, #tpu.memory_space<vmem_shared>>) target_semaphore(%run_scoped3A : memref<!tpu.dma_semaphore, #tpu.memory_space<semaphore_mem>>)
        %dma_wait3A = arith.constant 0 : i32
        %dma_wait3A_63 = tpu.memref_slice %arg7[%add3A_57, %dma_wait3A] : memref<5120x128xf32, #tpu.memory_space<vmem_shared>> -> memref<64x128xf32, #tpu.memory_space<vmem_shared>>
        %dma_wait3A_64 = arith.constant 10048 : i32
        %dma_wait3A_65 = arith.constant 0 : i32
        %dma_wait3A_66 = tpu.memref_slice %arg2[%dma_wait3A_64, %dma_wait3A_65] : memref<10240x128xf32, #tpu.memory_space<hbm>> -> memref<64x128xf32, #tpu.memory_space<hbm>>
        tpu.wait_dma2 semaphore(%run_scoped3A : memref<!tpu.dma_semaphore, #tpu.memory_space<semaphore_mem>>) src(%dma_wait3A_66 : memref<64x128xf32, #tpu.memory_space<hbm>>) dst(%dma_wait3A_63 : memref<64x128xf32, #tpu.memory_space<vmem_shared>>)
        tpu.yield
      }) : () -> ()
    }
    %scan3A_16 = arith.constant 5 : i32
    %add3A = arith.constant 0 : i32
    %add3A_17 = arith.addi %mul3A_7, %add3A : i32
    "tpu.region"() ({
      %run_scoped3A = tpu.sem_alloc : memref<!tpu.dma_semaphore, #tpu.memory_space<semaphore_mem>>
      %dma_start3A_52 = arith.constant 0 : i32
      %dma_start3A_53 = tpu.memref_slice %arg3[%add3A_17, %dma_start3A_52] : memref<2560x128xi32, #tpu.memory_space<hbm>> -> memref<40x128xi32, #tpu.memory_space<hbm>>
      %dma_start3A_54 = arith.constant 0 : i32
      %dma_start3A_55 = tpu.memref_slice %arg3[%add3A_17, %dma_start3A_54] : memref<2560x128xi32, #tpu.memory_space<hbm>> -> memref<40x128xi32, #tpu.memory_space<hbm>>
      tpu.enqueue_dma source(%dma_start3A_55 : memref<40x128xi32, #tpu.memory_space<hbm>>) target(%arg8 : memref<40x128xi32, #tpu.memory_space<vmem>>) target_semaphore(%run_scoped3A : memref<!tpu.dma_semaphore, #tpu.memory_space<semaphore_mem>>)
      %dma_wait3A = arith.constant 0 : i32
      %dma_wait3A_56 = tpu.memref_slice %arg3[%add3A_17, %dma_wait3A] : memref<2560x128xi32, #tpu.memory_space<hbm>> -> memref<40x128xi32, #tpu.memory_space<hbm>>
      %dma_wait3A_57 = arith.constant 0 : i32
      %dma_wait3A_58 = tpu.memref_slice %arg3[%add3A_17, %dma_wait3A_57] : memref<2560x128xi32, #tpu.memory_space<hbm>> -> memref<40x128xi32, #tpu.memory_space<hbm>>
      tpu.wait_dma2 semaphore(%run_scoped3A : memref<!tpu.dma_semaphore, #tpu.memory_space<semaphore_mem>>) src(%dma_wait3A_58 : memref<40x128xi32, #tpu.memory_space<hbm>>) dst(%arg8 : memref<40x128xi32, #tpu.memory_space<vmem>>)
      tpu.yield
    }) : () -> ()
    %add3A_18 = arith.constant 0 : i32
    %add3A_19 = arith.addi %mul3A_7, %add3A_18 : i32
    "tpu.region"() ({
      %run_scoped3A = tpu.sem_alloc : memref<!tpu.dma_semaphore, #tpu.memory_space<semaphore_mem>>
      %dma_start3A_52 = arith.constant 0 : i32
      %dma_start3A_53 = tpu.memref_slice %arg4[%add3A_19, %dma_start3A_52] : memref<2560x128xi32, #tpu.memory_space<hbm>> -> memref<40x128xi32, #tpu.memory_space<hbm>>
      %dma_start3A_54 = arith.constant 0 : i32
      %dma_start3A_55 = tpu.memref_slice %arg4[%add3A_19, %dma_start3A_54] : memref<2560x128xi32, #tpu.memory_space<hbm>> -> memref<40x128xi32, #tpu.memory_space<hbm>>
      tpu.enqueue_dma source(%dma_start3A_55 : memref<40x128xi32, #tpu.memory_space<hbm>>) target(%arg9 : memref<40x128xi32, #tpu.memory_space<vmem>>) target_semaphore(%run_scoped3A : memref<!tpu.dma_semaphore, #tpu.memory_space<semaphore_mem>>)
      %dma_wait3A = arith.constant 0 : i32
      %dma_wait3A_56 = tpu.memref_slice %arg4[%add3A_19, %dma_wait3A] : memref<2560x128xi32, #tpu.memory_space<hbm>> -> memref<40x128xi32, #tpu.memory_space<hbm>>
      %dma_wait3A_57 = arith.constant 0 : i32
      %dma_wait3A_58 = tpu.memref_slice %arg4[%add3A_19, %dma_wait3A_57] : memref<2560x128xi32, #tpu.memory_space<hbm>> -> memref<40x128xi32, #tpu.memory_space<hbm>>
      tpu.wait_dma2 semaphore(%run_scoped3A : memref<!tpu.dma_semaphore, #tpu.memory_space<semaphore_mem>>) src(%dma_wait3A_58 : memref<40x128xi32, #tpu.memory_space<hbm>>) dst(%arg9 : memref<40x128xi32, #tpu.memory_space<vmem>>)
      tpu.yield
    }) : () -> ()
    %barrier3A = arith.constant 0 : index
    tpu.barrier barrier_id(%barrier3A)
    %jit3A = arith.constant 0 : i32
    %jit3A_20 = arith.constant 40 : i32
    %eq3A = arith.constant 0 : i32
    %eq3A_21 = arith.cmpi eq, %jit3A_20, %eq3A : i32
    %jit3A_22 = arith.constant 1 : i32
    %select_n3A = arith.select %eq3A_21, %jit3A_22, %jit3A_20 : i32
    %rem3A = arith.remsi %jit3A, %select_n3A : i32
    %ne3A = arith.constant 0 : i32
    %ne3A_23 = arith.cmpi ne, %rem3A, %ne3A : i32
    %lt3A = arith.constant 0 : i32
    %lt3A_24 = arith.cmpi slt, %rem3A, %lt3A : i32
    %lt3A_25 = arith.constant 0 : i32
    %lt3A_26 = arith.cmpi slt, %select_n3A, %lt3A_25 : i32
    %ne3A_27 = arith.xori %lt3A_24, %lt3A_26 : i1
    %and3A = arith.andi %ne3A_27, %ne3A_23 : i1
    %add3A_28 = arith.addi %rem3A, %select_n3A : i32
    %select_n3A_29 = arith.select %and3A, %add3A_28, %rem3A : i32
    %scan3A_30 = arith.constant 0 : i32
    %scan3A_31 = arith.constant 8 : i32
    %scan3A_32 = arith.addi %scan3A_30, %scan3A_31 : i32
    %scan3A_33 = arith.constant 1 : i32
    scf.for %scan3A_52 = %scan3A_30 to %scan3A_32 step %scan3A_33  : i32 {
      %mul3A_53 = arith.constant 16 : i32
      %mul3A_54 = arith.muli %scan3A_52, %mul3A_53 : i32
      %add3A_55 = arith.constant 0 : i32
      %add3A_56 = arith.addi %add3A_55, %mul3A_54 : i32
      %get3A = arith.index_cast %select_n3A_29 : i32 to index
      %get3A_57 = arith.index_cast %add3A_56 : i32 to index
      %get3A_58 = tpu.vector_load %arg9[%get3A, %get3A_57] {strides = array<i32>} : memref<40x128xi32, #tpu.memory_space<vmem>>, vector<16xi32>,
      %get3A_59 = arith.index_cast %select_n3A_29 : i32 to index
      %get3A_60 = arith.index_cast %add3A_56 : i32 to index
      %get3A_61 = tpu.vector_load %arg8[%get3A_59, %get3A_60] {strides = array<i32>} : memref<40x128xi32, #tpu.memory_space<vmem>>, vector<16xi32>,
      %sub3A = vector.broadcast %mul3A_3 : i32 to vector<16xi32>
      %sub3A_62 = arith.subi %get3A_58, %sub3A : vector<16xi32>
      %ge3A = arith.constant 0 : i32
      %ge3A_63 = vector.broadcast %ge3A : i32 to vector<16xi32>
      %ge3A_64 = arith.cmpi sge, %sub3A_62, %ge3A_63 : vector<16xi32>
      %lt3A_65 = arith.constant 5120 : i32
      %lt3A_66 = vector.broadcast %lt3A_65 : i32 to vector<16xi32>
      %lt3A_67 = arith.cmpi slt, %sub3A_62, %lt3A_66 : vector<16xi32>
      %and3A_68 = arith.andi %ge3A_64, %lt3A_67 : vector<16xi1>
      %jit3A_69 = arith.constant 10000 : i32
      %broadcast_in_dim3A_70 = vector.broadcast %jit3A_69 : i32 to vector<16xi32>
      %select_n3A_71 = arith.select %and3A_68, %get3A_61, %broadcast_in_dim3A_70 : vector<16xi1>, vector<16xi32>
      %swap3A = arith.constant 0 : i32
      %swap3A_72 = arith.index_cast %swap3A : i32 to index
      %swap3A_73 = arith.index_cast %add3A_56 : i32 to index
      %swap3A_74 = tpu.vector_load %arg10[%swap3A_72, %swap3A_73] {strides = array<i32>} : memref<2x128xi32, #tpu.memory_space<vmem>>, vector<16xi32>,
      tpu.vector_store %arg10[%swap3A_72, %swap3A_73], %select_n3A_71 {strides = array<i32>} : memref<2x128xi32, #tpu.memory_space<vmem>>, vector<16xi32>,
      %jit3A_75 = arith.constant 0 : i32
      %broadcast_in_dim3A_76 = vector.broadcast %jit3A_75 : i32 to vector<16xi32>
      %select_n3A_77 = arith.select %and3A_68, %sub3A_62, %broadcast_in_dim3A_76 : vector<16xi1>, vector<16xi32>
      %swap3A_78 = arith.constant 0 : i32
      %swap3A_79 = arith.index_cast %swap3A_78 : i32 to index
      %swap3A_80 = arith.index_cast %add3A_56 : i32 to index
      %swap3A_81 = tpu.vector_load %arg11[%swap3A_79, %swap3A_80] {strides = array<i32>} : memref<2x128xi32, #tpu.memory_space<vmem>>, vector<16xi32>,
      tpu.vector_store %arg11[%swap3A_79, %swap3A_80], %select_n3A_77 {strides = array<i32>} : memref<2x128xi32, #tpu.memory_space<vmem>>, vector<16xi32>,
      tpu.vector_store_idx %arg13[%select_n3A_77], %broadcast_in_dim3A_2 masked %and3A_68 {add = true} : memref<5120xf32, #tpu.memory_space<vmem>>[vector<16xi32>], vector<16xf32>, vector<16xi1>
    }
    %scan3A_34 = arith.constant 8 : i32
    %dma_start3A = arith.constant 0 : i32
    %dma_start3A_35 = arith.constant 0 : i32
    %dma_start3A_36 = arith.constant 0 : i32
    %dma_start3A_37 = arith.constant 0 : i32
    %dma_start3A_38 = tpu.memref_slice %arg12[%dma_start3A_35, %dma_start3A_36, %dma_start3A_37] : memref<2x128x128xf32, #tpu.memory_space<vmem>> -> memref<1x128x128xf32, #tpu.memory_space<vmem>>
    %dma_start3A_39 = tpu.memref_squeeze %dma_start3A_38 : memref<1x128x128xf32, #tpu.memory_space<vmem>> -> memref<128x128xf32, #tpu.memory_space<vmem>>
    %dma_start3A_40 = arith.constant 0 : i32
    %dma_start3A_41 = tpu.memref_slice %arg10[%dma_start3A, %dma_start3A_40] : memref<2x128xi32, #tpu.memory_space<vmem>> -> memref<1x128xi32, #tpu.memory_space<vmem>>
    %dma_start3A_42 = tpu.memref_squeeze %dma_start3A_41 : memref<1x128xi32, #tpu.memory_space<vmem>> -> memref<128xi32, #tpu.memory_space<vmem>>
    %dma_start3A_43 = arith.constant 0 : i32
    %dma_start3A_44 = arith.constant 0 : i32
    %dma_start3A_45 = tpu.memref_slice %arg2[%dma_start3A_43, %dma_start3A_44] : memref<10240x128xf32, #tpu.memory_space<hbm>> -> memref<10240x128xf32, #tpu.memory_space<hbm>>
    tpu.enqueue_indirect_dma source(%dma_start3A_45 : memref<10240x128xf32, #tpu.memory_space<hbm>>) target(%dma_start3A_39 : memref<128x128xf32, #tpu.memory_space<vmem>>) offsets(%dma_start3A_42 : memref<128xi32, #tpu.memory_space<vmem>>) semaphore(%arg14 : memref<!tpu.dma_semaphore, #tpu.memory_space<semaphore_mem>>)
    %scan3A_46 = arith.constant 0 : i32
    %scan3A_47 = arith.constant 80 : i32
    %scan3A_48 = arith.addi %scan3A_46, %scan3A_47 : i32
    %scan3A_49 = arith.constant 1 : i32
    scf.for %scan3A_52 = %scan3A_46 to %scan3A_48 step %scan3A_49  : i32 {
      %mul3A_53 = arith.constant 2 : i32
      %mul3A_54 = arith.muli %scan3A_52, %mul3A_53 : i32
      %add3A_55 = arith.constant 0 : i32
      %add3A_56 = arith.addi %add3A_55, %mul3A_54 : i32
      %add3A_57 = arith.constant 0 : i32
      %add3A_58 = arith.addi %add3A_56, %add3A_57 : i32
      %add3A_59 = arith.constant 1 : i32
      %add3A_60 = arith.addi %add3A_58, %add3A_59 : i32
      %lt3A_61 = arith.constant 160 : i32
      %lt3A_62 = arith.cmpi slt, %add3A_60, %lt3A_61 : i32
      %convert_element_type3A = arith.extui %lt3A_62 : i1 to i32
      %cond3A = arith.constant 0 : i32
      %cond3A_63 = arith.cmpi ne, %convert_element_type3A, %cond3A : i32
      scf.if %cond3A_63 {
        %add3A_99 = arith.constant 1 : i32
        %add3A_100 = arith.addi %add3A_58, %add3A_99 : i32
        %jit3A_101 = arith.constant 40 : i32
        %eq3A_102 = arith.constant 0 : i32
        %eq3A_103 = arith.cmpi eq, %jit3A_101, %eq3A_102 : i32
        %jit3A_104 = arith.constant 1 : i32
        %select_n3A_105 = arith.select %eq3A_103, %jit3A_104, %jit3A_101 : i32
        %rem3A_106 = arith.remsi %add3A_100, %select_n3A_105 : i32
        %ne3A_107 = arith.constant 0 : i32
        %ne3A_108 = arith.cmpi ne, %rem3A_106, %ne3A_107 : i32
        %lt3A_109 = arith.constant 0 : i32
        %lt3A_110 = arith.cmpi slt, %rem3A_106, %lt3A_109 : i32
        %lt3A_111 = arith.constant 0 : i32
        %lt3A_112 = arith.cmpi slt, %select_n3A_105, %lt3A_111 : i32
        %ne3A_113 = arith.xori %lt3A_110, %lt3A_112 : i1
        %and3A_114 = arith.andi %ne3A_113, %ne3A_108 : i1
        %add3A_115 = arith.addi %rem3A_106, %select_n3A_105 : i32
        %select_n3A_116 = arith.select %and3A_114, %add3A_115, %rem3A_106 : i32
        %eq3A_117 = arith.constant 0 : i32
        %eq3A_118 = arith.cmpi eq, %select_n3A_116, %eq3A_117 : i32
        %convert_element_type3A_119 = arith.extui %eq3A_118 : i1 to i32
        %cond3A_120 = arith.constant 0 : i32
        %cond3A_121 = arith.cmpi ne, %convert_element_type3A_119, %cond3A_120 : i32
        scf.if %cond3A_121 {
          %add3A_157 = arith.constant 1 : i32
          %add3A_158 = arith.addi %add3A_58, %add3A_157 : i32
          %div3A = arith.constant 40 : i32
          %div3A_159 = arith.divsi %add3A_158, %div3A : i32
          %mul3A_160 = arith.constant 40 : i32
          %mul3A_161 = arith.muli %div3A_159, %mul3A_160 : i32
          %add3A_162 = arith.addi %mul3A_7, %mul3A_161 : i32
          "tpu.region"() ({
            %run_scoped3A_166 = tpu.sem_alloc : memref<!tpu.dma_semaphore, #tpu.memory_space<semaphore_mem>>
            %dma_start3A_167 = arith.constant 0 : i32
            %dma_start3A_168 = tpu.memref_slice %arg3[%add3A_162, %dma_start3A_167] : memref<2560x128xi32, #tpu.memory_space<hbm>> -> memref<40x128xi32, #tpu.memory_space<hbm>>
            %dma_start3A_169 = arith.constant 0 : i32
            %dma_start3A_170 = tpu.memref_slice %arg3[%add3A_162, %dma_start3A_169] : memref<2560x128xi32, #tpu.memory_space<hbm>> -> memref<40x128xi32, #tpu.memory_space<hbm>>
            tpu.enqueue_dma source(%dma_start3A_170 : memref<40x128xi32, #tpu.memory_space<hbm>>) target(%arg8 : memref<40x128xi32, #tpu.memory_space<vmem>>) target_semaphore(%run_scoped3A_166 : memref<!tpu.dma_semaphore, #tpu.memory_space<semaphore_mem>>)
            %dma_wait3A_171 = arith.constant 0 : i32
            %dma_wait3A_172 = tpu.memref_slice %arg3[%add3A_162, %dma_wait3A_171] : memref<2560x128xi32, #tpu.memory_space<hbm>> -> memref<40x128xi32, #tpu.memory_space<hbm>>
            %dma_wait3A_173 = arith.constant 0 : i32
            %dma_wait3A_174 = tpu.memref_slice %arg3[%add3A_162, %dma_wait3A_173] : memref<2560x128xi32, #tpu.memory_space<hbm>> -> memref<40x128xi32, #tpu.memory_space<hbm>>
            tpu.wait_dma2 semaphore(%run_scoped3A_166 : memref<!tpu.dma_semaphore, #tpu.memory_space<semaphore_mem>>) src(%dma_wait3A_174 : memref<40x128xi32, #tpu.memory_space<hbm>>) dst(%arg8 : memref<40x128xi32, #tpu.memory_space<vmem>>)
            tpu.yield
          }) : () -> ()
          %mul3A_163 = arith.constant 40 : i32
          %mul3A_164 = arith.muli %div3A_159, %mul3A_163 : i32
          %add3A_165 = arith.addi %mul3A_7, %mul3A_164 : i32
          "tpu.region"() ({
            %run_scoped3A_166 = tpu.sem_alloc : memref<!tpu.dma_semaphore, #tpu.memory_space<semaphore_mem>>
            %dma_start3A_167 = arith.constant 0 : i32
            %dma_start3A_168 = tpu.memref_slice %arg4[%add3A_165, %dma_start3A_167] : memref<2560x128xi32, #tpu.memory_space<hbm>> -> memref<40x128xi32, #tpu.memory_space<hbm>>
            %dma_start3A_169 = arith.constant 0 : i32
            %dma_start3A_170 = tpu.memref_slice %arg4[%add3A_165, %dma_start3A_169] : memref<2560x128xi32, #tpu.memory_space<hbm>> -> memref<40x128xi32, #tpu.memory_space<hbm>>
            tpu.enqueue_dma source(%dma_start3A_170 : memref<40x128xi32, #tpu.memory_space<hbm>>) target(%arg9 : memref<40x128xi32, #tpu.memory_space<vmem>>) target_semaphore(%run_scoped3A_166 : memref<!tpu.dma_semaphore, #tpu.memory_space<semaphore_mem>>)
            %dma_wait3A_171 = arith.constant 0 : i32
            %dma_wait3A_172 = tpu.memref_slice %arg4[%add3A_165, %dma_wait3A_171] : memref<2560x128xi32, #tpu.memory_space<hbm>> -> memref<40x128xi32, #tpu.memory_space<hbm>>
            %dma_wait3A_173 = arith.constant 0 : i32
            %dma_wait3A_174 = tpu.memref_slice %arg4[%add3A_165, %dma_wait3A_173] : memref<2560x128xi32, #tpu.memory_space<hbm>> -> memref<40x128xi32, #tpu.memory_space<hbm>>
            tpu.wait_dma2 semaphore(%run_scoped3A_166 : memref<!tpu.dma_semaphore, #tpu.memory_space<semaphore_mem>>) src(%dma_wait3A_174 : memref<40x128xi32, #tpu.memory_space<hbm>>) dst(%arg9 : memref<40x128xi32, #tpu.memory_space<vmem>>)
            tpu.yield
          }) : () -> ()
        } else {
        }
        %add3A_122 = arith.constant 1 : i32
        %add3A_123 = arith.addi %add3A_58, %add3A_122 : i32
        %jit3A_124 = arith.constant 40 : i32
        %eq3A_125 = arith.constant 0 : i32
        %eq3A_126 = arith.cmpi eq, %jit3A_124, %eq3A_125 : i32
        %jit3A_127 = arith.constant 1 : i32
        %select_n3A_128 = arith.select %eq3A_126, %jit3A_127, %jit3A_124 : i32
        %rem3A_129 = arith.remsi %add3A_123, %select_n3A_128 : i32
        %ne3A_130 = arith.constant 0 : i32
        %ne3A_131 = arith.cmpi ne, %rem3A_129, %ne3A_130 : i32
        %lt3A_132 = arith.constant 0 : i32
        %lt3A_133 = arith.cmpi slt, %rem3A_129, %lt3A_132 : i32
        %lt3A_134 = arith.constant 0 : i32
        %lt3A_135 = arith.cmpi slt, %select_n3A_128, %lt3A_134 : i32
        %ne3A_136 = arith.xori %lt3A_133, %lt3A_135 : i1
        %and3A_137 = arith.andi %ne3A_136, %ne3A_131 : i1
        %add3A_138 = arith.addi %rem3A_129, %select_n3A_128 : i32
        %select_n3A_139 = arith.select %and3A_137, %add3A_138, %rem3A_129 : i32
        %scan3A_140 = arith.constant 0 : i32
        %scan3A_141 = arith.constant 8 : i32
        %scan3A_142 = arith.addi %scan3A_140, %scan3A_141 : i32
        %scan3A_143 = arith.constant 1 : i32
        scf.for %scan3A_157 = %scan3A_140 to %scan3A_142 step %scan3A_143  : i32 {
          %mul3A_158 = arith.constant 16 : i32
          %mul3A_159 = arith.muli %scan3A_157, %mul3A_158 : i32
          %add3A_160 = arith.constant 0 : i32
          %add3A_161 = arith.addi %add3A_160, %mul3A_159 : i32
          %get3A = arith.index_cast %select_n3A_139 : i32 to index
          %get3A_162 = arith.index_cast %add3A_161 : i32 to index
          %get3A_163 = tpu.vector_load %arg9[%get3A, %get3A_162] {strides = array<i32>} : memref<40x128xi32, #tpu.memory_space<vmem>>, vector<16xi32>,
          %get3A_164 = arith.index_cast %select_n3A_139 : i32 to index
          %get3A_165 = arith.index_cast %add3A_161 : i32 to index
          %get3A_166 = tpu.vector_load %arg8[%get3A_164, %get3A_165] {strides = array<i32>} : memref<40x128xi32, #tpu.memory_space<vmem>>, vector<16xi32>,
          %sub3A = vector.broadcast %mul3A_3 : i32 to vector<16xi32>
          %sub3A_167 = arith.subi %get3A_163, %sub3A : vector<16xi32>
          %ge3A = arith.constant 0 : i32
          %ge3A_168 = vector.broadcast %ge3A : i32 to vector<16xi32>
          %ge3A_169 = arith.cmpi sge, %sub3A_167, %ge3A_168 : vector<16xi32>
          %lt3A_170 = arith.constant 5120 : i32
          %lt3A_171 = vector.broadcast %lt3A_170 : i32 to vector<16xi32>
          %lt3A_172 = arith.cmpi slt, %sub3A_167, %lt3A_171 : vector<16xi32>
          %and3A_173 = arith.andi %ge3A_169, %lt3A_172 : vector<16xi1>
          %jit3A_174 = arith.constant 10000 : i32
          %broadcast_in_dim3A_175 = vector.broadcast %jit3A_174 : i32 to vector<16xi32>
          %select_n3A_176 = arith.select %and3A_173, %get3A_166, %broadcast_in_dim3A_175 : vector<16xi1>, vector<16xi32>
          %swap3A = arith.constant 1 : i32
          %swap3A_177 = arith.index_cast %swap3A : i32 to index
          %swap3A_178 = arith.index_cast %add3A_161 : i32 to index
          %swap3A_179 = tpu.vector_load %arg10[%swap3A_177, %swap3A_178] {strides = array<i32>} : memref<2x128xi32, #tpu.memory_space<vmem>>, vector<16xi32>,
          tpu.vector_store %arg10[%swap3A_177, %swap3A_178], %select_n3A_176 {strides = array<i32>} : memref<2x128xi32, #tpu.memory_space<vmem>>, vector<16xi32>,
          %jit3A_180 = arith.constant 0 : i32
          %broadcast_in_dim3A_181 = vector.broadcast %jit3A_180 : i32 to vector<16xi32>
          %select_n3A_182 = arith.select %and3A_173, %sub3A_167, %broadcast_in_dim3A_181 : vector<16xi1>, vector<16xi32>
          %swap3A_183 = arith.constant 1 : i32
          %swap3A_184 = arith.index_cast %swap3A_183 : i32 to index
          %swap3A_185 = arith.index_cast %add3A_161 : i32 to index
          %swap3A_186 = tpu.vector_load %arg11[%swap3A_184, %swap3A_185] {strides = array<i32>} : memref<2x128xi32, #tpu.memory_space<vmem>>, vector<16xi32>,
          tpu.vector_store %arg11[%swap3A_184, %swap3A_185], %select_n3A_182 {strides = array<i32>} : memref<2x128xi32, #tpu.memory_space<vmem>>, vector<16xi32>,
          tpu.vector_store_idx %arg13[%select_n3A_182], %broadcast_in_dim3A_2 masked %and3A_173 {add = true} : memref<5120xf32, #tpu.memory_space<vmem>>[vector<16xi32>], vector<16xf32>, vector<16xi1>
        }
        %scan3A_144 = arith.constant 8 : i32
        %dma_start3A_145 = arith.constant 1 : i32
        %dma_start3A_146 = arith.constant 1 : i32
        %dma_start3A_147 = arith.constant 0 : i32
        %dma_start3A_148 = arith.constant 0 : i32
        %dma_start3A_149 = tpu.memref_slice %arg12[%dma_start3A_146, %dma_start3A_147, %dma_start3A_148] : memref<2x128x128xf32, #tpu.memory_space<vmem>> -> memref<1x128x128xf32, #tpu.memory_space<vmem>>
        %dma_start3A_150 = tpu.memref_squeeze %dma_start3A_149 : memref<1x128x128xf32, #tpu.memory_space<vmem>> -> memref<128x128xf32, #tpu.memory_space<vmem>>
        %dma_start3A_151 = arith.constant 0 : i32
        %dma_start3A_152 = tpu.memref_slice %arg10[%dma_start3A_145, %dma_start3A_151] : memref<2x128xi32, #tpu.memory_space<vmem>> -> memref<1x128xi32, #tpu.memory_space<vmem>>
        %dma_start3A_153 = tpu.memref_squeeze %dma_start3A_152 : memref<1x128xi32, #tpu.memory_space<vmem>> -> memref<128xi32, #tpu.memory_space<vmem>>
        %dma_start3A_154 = arith.constant 0 : i32
        %dma_start3A_155 = arith.constant 0 : i32
        %dma_start3A_156 = tpu.memref_slice %arg2[%dma_start3A_154, %dma_start3A_155] : memref<10240x128xf32, #tpu.memory_space<hbm>> -> memref<10240x128xf32, #tpu.memory_space<hbm>>
        tpu.enqueue_indirect_dma source(%dma_start3A_156 : memref<10240x128xf32, #tpu.memory_space<hbm>>) target(%dma_start3A_150 : memref<128x128xf32, #tpu.memory_space<vmem>>) offsets(%dma_start3A_153 : memref<128xi32, #tpu.memory_space<vmem>>) semaphore(%arg15 : memref<!tpu.dma_semaphore, #tpu.memory_space<semaphore_mem>>)
      } else {
      }
      %dma_wait3A = arith.constant 0 : i32
      %dma_wait3A_64 = arith.constant 0 : i32
      %dma_wait3A_65 = arith.constant 0 : i32
      %dma_wait3A_66 = arith.constant 0 : i32
      %dma_wait3A_67 = tpu.memref_slice %arg12[%dma_wait3A_64, %dma_wait3A_65, %dma_wait3A_66] : memref<2x128x128xf32, #tpu.memory_space<vmem>> -> memref<1x128x128xf32, #tpu.memory_space<vmem>>
      %dma_wait3A_68 = tpu.memref_squeeze %dma_wait3A_67 : memref<1x128x128xf32, #tpu.memory_space<vmem>> -> memref<128x128xf32, #tpu.memory_space<vmem>>
      %dma_wait3A_69 = arith.constant 0 : i32
      %dma_wait3A_70 = tpu.memref_slice %arg10[%dma_wait3A, %dma_wait3A_69] : memref<2x128xi32, #tpu.memory_space<vmem>> -> memref<1x128xi32, #tpu.memory_space<vmem>>
      %dma_wait3A_71 = tpu.memref_squeeze %dma_wait3A_70 : memref<1x128xi32, #tpu.memory_space<vmem>> -> memref<128xi32, #tpu.memory_space<vmem>>
      %dma_wait3A_72 = arith.constant 0 : i32
      %dma_wait3A_73 = arith.constant 0 : i32
      %dma_wait3A_74 = tpu.memref_slice %arg2[%dma_wait3A_72, %dma_wait3A_73] : memref<10240x128xf32, #tpu.memory_space<hbm>> -> memref<10240x128xf32, #tpu.memory_space<hbm>>
      tpu.wait_indirect_dma semaphore(%arg14 : memref<!tpu.dma_semaphore, #tpu.memory_space<semaphore_mem>>) src(%dma_wait3A_74 : memref<10240x128xf32, #tpu.memory_space<hbm>>) dst(%dma_wait3A_68 : memref<128x128xf32, #tpu.memory_space<vmem>>)
      %run_scoped3A = arith.constant 0 : i32
      %run_scoped3A_75 = arith.constant 0 : i32
      "tpu.region"() ({
        %run_scoped3A_99 = tpu.sem_alloc : memref<!tpu.dma_semaphore, #tpu.memory_space<semaphore_mem>>
        %dma_start3A_100 = arith.constant 0 : i32
        %dma_start3A_101 = arith.constant 0 : i32
        %dma_start3A_102 = tpu.memref_slice %arg12[%run_scoped3A, %dma_start3A_100, %dma_start3A_101] : memref<2x128x128xf32, #tpu.memory_space<vmem>> -> memref<1x128x128xf32, #tpu.memory_space<vmem>>
        %dma_start3A_103 = tpu.memref_squeeze %dma_start3A_102 : memref<1x128x128xf32, #tpu.memory_space<vmem>> -> memref<128x128xf32, #tpu.memory_space<vmem>>
        %dma_start3A_104 = arith.constant 0 : i32
        %dma_start3A_105 = tpu.memref_slice %arg11[%run_scoped3A_75, %dma_start3A_104] : memref<2x128xi32, #tpu.memory_space<vmem>> -> memref<1x128xi32, #tpu.memory_space<vmem>>
        %dma_start3A_106 = tpu.memref_squeeze %dma_start3A_105 : memref<1x128xi32, #tpu.memory_space<vmem>> -> memref<128xi32, #tpu.memory_space<vmem>>
        %dma_start3A_107 = arith.constant 0 : i32
        %dma_start3A_108 = arith.constant 0 : i32
        %dma_start3A_109 = tpu.memref_slice %arg7[%dma_start3A_107, %dma_start3A_108] : memref<5120x128xf32, #tpu.memory_space<vmem_shared>> -> memref<5120x128xf32, #tpu.memory_space<vmem_shared>>
        tpu.enqueue_indirect_dma source(%dma_start3A_103 : memref<128x128xf32, #tpu.memory_space<vmem>>) target(%dma_start3A_109 : memref<5120x128xf32, #tpu.memory_space<vmem_shared>>) offsets(%dma_start3A_106 : memref<128xi32, #tpu.memory_space<vmem>>) semaphore(%run_scoped3A_99 : memref<!tpu.dma_semaphore, #tpu.memory_space<semaphore_mem>>) {add = true}
        %dma_wait3A_110 = arith.constant 0 : i32
        %dma_wait3A_111 = arith.constant 0 : i32
        %dma_wait3A_112 = tpu.memref_slice %arg12[%run_scoped3A, %dma_wait3A_110, %dma_wait3A_111] : memref<2x128x128xf32, #tpu.memory_space<vmem>> -> memref<1x128x128xf32, #tpu.memory_space<vmem>>
        %dma_wait3A_113 = tpu.memref_squeeze %dma_wait3A_112 : memref<1x128x128xf32, #tpu.memory_space<vmem>> -> memref<128x128xf32, #tpu.memory_space<vmem>>
        %dma_wait3A_114 = arith.constant 0 : i32
        %dma_wait3A_115 = tpu.memref_slice %arg11[%run_scoped3A_75, %dma_wait3A_114] : memref<2x128xi32, #tpu.memory_space<vmem>> -> memref<1x128xi32, #tpu.memory_space<vmem>>
        %dma_wait3A_116 = tpu.memref_squeeze %dma_wait3A_115 : memref<1x128xi32, #tpu.memory_space<vmem>> -> memref<128xi32, #tpu.memory_space<vmem>>
        %dma_wait3A_117 = arith.constant 0 : i32
        %dma_wait3A_118 = arith.constant 0 : i32
        %dma_wait3A_119 = tpu.memref_slice %arg7[%dma_wait3A_117, %dma_wait3A_118] : memref<5120x128xf32, #tpu.memory_space<vmem_shared>> -> memref<5120x128xf32, #tpu.memory_space<vmem_shared>>
        tpu.wait_indirect_dma semaphore(%run_scoped3A_99 : memref<!tpu.dma_semaphore, #tpu.memory_space<semaphore_mem>>) src(%dma_wait3A_113 : memref<128x128xf32, #tpu.memory_space<vmem>>) dst(%dma_wait3A_119 : memref<5120x128xf32, #tpu.memory_space<vmem_shared>>)
        tpu.yield
      }) : () -> ()
      %add3A_76 = arith.constant 1 : i32
      %add3A_77 = arith.addi %add3A_56, %add3A_76 : i32
      %add3A_78 = arith.constant 1 : i32
      %add3A_79 = arith.addi %add3A_77, %add3A_78 : i32
      %lt3A_80 = arith.constant 160 : i32
      %lt3A_81 = arith.cmpi slt, %add3A_79, %lt3A_80 : i32
      %convert_element_type3A_82 = arith.extui %lt3A_81 : i1 to i32
      %cond3A_83 = arith.constant 0 : i32
      %cond3A_84 = arith.cmpi ne, %convert_element_type3A_82, %cond3A_83 : i32
      scf.if %cond3A_84 {
        %add3A_99 = arith.constant 1 : i32
        %add3A_100 = arith.addi %add3A_77, %add3A_99 : i32
        %jit3A_101 = arith.constant 40 : i32
        %eq3A_102 = arith.constant 0 : i32
        %eq3A_103 = arith.cmpi eq, %jit3A_101, %eq3A_102 : i32
        %jit3A_104 = arith.constant 1 : i32
        %select_n3A_105 = arith.select %eq3A_103, %jit3A_104, %jit3A_101 : i32
        %rem3A_106 = arith.remsi %add3A_100, %select_n3A_105 : i32
        %ne3A_107 = arith.constant 0 : i32
        %ne3A_108 = arith.cmpi ne, %rem3A_106, %ne3A_107 : i32
        %lt3A_109 = arith.constant 0 : i32
        %lt3A_110 = arith.cmpi slt, %rem3A_106, %lt3A_109 : i32
        %lt3A_111 = arith.constant 0 : i32
        %lt3A_112 = arith.cmpi slt, %select_n3A_105, %lt3A_111 : i32
        %ne3A_113 = arith.xori %lt3A_110, %lt3A_112 : i1
        %and3A_114 = arith.andi %ne3A_113, %ne3A_108 : i1
        %add3A_115 = arith.addi %rem3A_106, %select_n3A_105 : i32
        %select_n3A_116 = arith.select %and3A_114, %add3A_115, %rem3A_106 : i32
        %eq3A_117 = arith.constant 0 : i32
        %eq3A_118 = arith.cmpi eq, %select_n3A_116, %eq3A_117 : i32
        %convert_element_type3A_119 = arith.extui %eq3A_118 : i1 to i32
        %cond3A_120 = arith.constant 0 : i32
        %cond3A_121 = arith.cmpi ne, %convert_element_type3A_119, %cond3A_120 : i32
        scf.if %cond3A_121 {
          %add3A_157 = arith.constant 1 : i32
          %add3A_158 = arith.addi %add3A_77, %add3A_157 : i32
          %div3A = arith.constant 40 : i32
          %div3A_159 = arith.divsi %add3A_158, %div3A : i32
          %mul3A_160 = arith.constant 40 : i32
          %mul3A_161 = arith.muli %div3A_159, %mul3A_160 : i32
          %add3A_162 = arith.addi %mul3A_7, %mul3A_161 : i32
          "tpu.region"() ({
            %run_scoped3A_166 = tpu.sem_alloc : memref<!tpu.dma_semaphore, #tpu.memory_space<semaphore_mem>>
            %dma_start3A_167 = arith.constant 0 : i32
            %dma_start3A_168 = tpu.memref_slice %arg3[%add3A_162, %dma_start3A_167] : memref<2560x128xi32, #tpu.memory_space<hbm>> -> memref<40x128xi32, #tpu.memory_space<hbm>>
            %dma_start3A_169 = arith.constant 0 : i32
            %dma_start3A_170 = tpu.memref_slice %arg3[%add3A_162, %dma_start3A_169] : memref<2560x128xi32, #tpu.memory_space<hbm>> -> memref<40x128xi32, #tpu.memory_space<hbm>>
            tpu.enqueue_dma source(%dma_start3A_170 : memref<40x128xi32, #tpu.memory_space<hbm>>) target(%arg8 : memref<40x128xi32, #tpu.memory_space<vmem>>) target_semaphore(%run_scoped3A_166 : memref<!tpu.dma_semaphore, #tpu.memory_space<semaphore_mem>>)
            %dma_wait3A_171 = arith.constant 0 : i32
            %dma_wait3A_172 = tpu.memref_slice %arg3[%add3A_162, %dma_wait3A_171] : memref<2560x128xi32, #tpu.memory_space<hbm>> -> memref<40x128xi32, #tpu.memory_space<hbm>>
            %dma_wait3A_173 = arith.constant 0 : i32
            %dma_wait3A_174 = tpu.memref_slice %arg3[%add3A_162, %dma_wait3A_173] : memref<2560x128xi32, #tpu.memory_space<hbm>> -> memref<40x128xi32, #tpu.memory_space<hbm>>
            tpu.wait_dma2 semaphore(%run_scoped3A_166 : memref<!tpu.dma_semaphore, #tpu.memory_space<semaphore_mem>>) src(%dma_wait3A_174 : memref<40x128xi32, #tpu.memory_space<hbm>>) dst(%arg8 : memref<40x128xi32, #tpu.memory_space<vmem>>)
            tpu.yield
          }) : () -> ()
          %mul3A_163 = arith.constant 40 : i32
          %mul3A_164 = arith.muli %div3A_159, %mul3A_163 : i32
          %add3A_165 = arith.addi %mul3A_7, %mul3A_164 : i32
          "tpu.region"() ({
            %run_scoped3A_166 = tpu.sem_alloc : memref<!tpu.dma_semaphore, #tpu.memory_space<semaphore_mem>>
            %dma_start3A_167 = arith.constant 0 : i32
            %dma_start3A_168 = tpu.memref_slice %arg4[%add3A_165, %dma_start3A_167] : memref<2560x128xi32, #tpu.memory_space<hbm>> -> memref<40x128xi32, #tpu.memory_space<hbm>>
            %dma_start3A_169 = arith.constant 0 : i32
            %dma_start3A_170 = tpu.memref_slice %arg4[%add3A_165, %dma_start3A_169] : memref<2560x128xi32, #tpu.memory_space<hbm>> -> memref<40x128xi32, #tpu.memory_space<hbm>>
            tpu.enqueue_dma source(%dma_start3A_170 : memref<40x128xi32, #tpu.memory_space<hbm>>) target(%arg9 : memref<40x128xi32, #tpu.memory_space<vmem>>) target_semaphore(%run_scoped3A_166 : memref<!tpu.dma_semaphore, #tpu.memory_space<semaphore_mem>>)
            %dma_wait3A_171 = arith.constant 0 : i32
            %dma_wait3A_172 = tpu.memref_slice %arg4[%add3A_165, %dma_wait3A_171] : memref<2560x128xi32, #tpu.memory_space<hbm>> -> memref<40x128xi32, #tpu.memory_space<hbm>>
            %dma_wait3A_173 = arith.constant 0 : i32
            %dma_wait3A_174 = tpu.memref_slice %arg4[%add3A_165, %dma_wait3A_173] : memref<2560x128xi32, #tpu.memory_space<hbm>> -> memref<40x128xi32, #tpu.memory_space<hbm>>
            tpu.wait_dma2 semaphore(%run_scoped3A_166 : memref<!tpu.dma_semaphore, #tpu.memory_space<semaphore_mem>>) src(%dma_wait3A_174 : memref<40x128xi32, #tpu.memory_space<hbm>>) dst(%arg9 : memref<40x128xi32, #tpu.memory_space<vmem>>)
            tpu.yield
          }) : () -> ()
        } else {
        }
        %add3A_122 = arith.constant 1 : i32
        %add3A_123 = arith.addi %add3A_77, %add3A_122 : i32
        %jit3A_124 = arith.constant 40 : i32
        %eq3A_125 = arith.constant 0 : i32
        %eq3A_126 = arith.cmpi eq, %jit3A_124, %eq3A_125 : i32
        %jit3A_127 = arith.constant 1 : i32
        %select_n3A_128 = arith.select %eq3A_126, %jit3A_127, %jit3A_124 : i32
        %rem3A_129 = arith.remsi %add3A_123, %select_n3A_128 : i32
        %ne3A_130 = arith.constant 0 : i32
        %ne3A_131 = arith.cmpi ne, %rem3A_129, %ne3A_130 : i32
        %lt3A_132 = arith.constant 0 : i32
        %lt3A_133 = arith.cmpi slt, %rem3A_129, %lt3A_132 : i32
        %lt3A_134 = arith.constant 0 : i32
        %lt3A_135 = arith.cmpi slt, %select_n3A_128, %lt3A_134 : i32
        %ne3A_136 = arith.xori %lt3A_133, %lt3A_135 : i1
        %and3A_137 = arith.andi %ne3A_136, %ne3A_131 : i1
        %add3A_138 = arith.addi %rem3A_129, %select_n3A_128 : i32
        %select_n3A_139 = arith.select %and3A_137, %add3A_138, %rem3A_129 : i32
        %scan3A_140 = arith.constant 0 : i32
        %scan3A_141 = arith.constant 8 : i32
        %scan3A_142 = arith.addi %scan3A_140, %scan3A_141 : i32
        %scan3A_143 = arith.constant 1 : i32
        scf.for %scan3A_157 = %scan3A_140 to %scan3A_142 step %scan3A_143  : i32 {
          %mul3A_158 = arith.constant 16 : i32
          %mul3A_159 = arith.muli %scan3A_157, %mul3A_158 : i32
          %add3A_160 = arith.constant 0 : i32
          %add3A_161 = arith.addi %add3A_160, %mul3A_159 : i32
          %get3A = arith.index_cast %select_n3A_139 : i32 to index
          %get3A_162 = arith.index_cast %add3A_161 : i32 to index
          %get3A_163 = tpu.vector_load %arg9[%get3A, %get3A_162] {strides = array<i32>} : memref<40x128xi32, #tpu.memory_space<vmem>>, vector<16xi32>,
          %get3A_164 = arith.index_cast %select_n3A_139 : i32 to index
          %get3A_165 = arith.index_cast %add3A_161 : i32 to index
          %get3A_166 = tpu.vector_load %arg8[%get3A_164, %get3A_165] {strides = array<i32>} : memref<40x128xi32, #tpu.memory_space<vmem>>, vector<16xi32>,
          %sub3A = vector.broadcast %mul3A_3 : i32 to vector<16xi32>
          %sub3A_167 = arith.subi %get3A_163, %sub3A : vector<16xi32>
          %ge3A = arith.constant 0 : i32
          %ge3A_168 = vector.broadcast %ge3A : i32 to vector<16xi32>
          %ge3A_169 = arith.cmpi sge, %sub3A_167, %ge3A_168 : vector<16xi32>
          %lt3A_170 = arith.constant 5120 : i32
          %lt3A_171 = vector.broadcast %lt3A_170 : i32 to vector<16xi32>
          %lt3A_172 = arith.cmpi slt, %sub3A_167, %lt3A_171 : vector<16xi32>
          %and3A_173 = arith.andi %ge3A_169, %lt3A_172 : vector<16xi1>
          %jit3A_174 = arith.constant 10000 : i32
          %broadcast_in_dim3A_175 = vector.broadcast %jit3A_174 : i32 to vector<16xi32>
          %select_n3A_176 = arith.select %and3A_173, %get3A_166, %broadcast_in_dim3A_175 : vector<16xi1>, vector<16xi32>
          %swap3A = arith.constant 0 : i32
          %swap3A_177 = arith.index_cast %swap3A : i32 to index
          %swap3A_178 = arith.index_cast %add3A_161 : i32 to index
          %swap3A_179 = tpu.vector_load %arg10[%swap3A_177, %swap3A_178] {strides = array<i32>} : memref<2x128xi32, #tpu.memory_space<vmem>>, vector<16xi32>,
          tpu.vector_store %arg10[%swap3A_177, %swap3A_178], %select_n3A_176 {strides = array<i32>} : memref<2x128xi32, #tpu.memory_space<vmem>>, vector<16xi32>,
          %jit3A_180 = arith.constant 0 : i32
          %broadcast_in_dim3A_181 = vector.broadcast %jit3A_180 : i32 to vector<16xi32>
          %select_n3A_182 = arith.select %and3A_173, %sub3A_167, %broadcast_in_dim3A_181 : vector<16xi1>, vector<16xi32>
          %swap3A_183 = arith.constant 0 : i32
          %swap3A_184 = arith.index_cast %swap3A_183 : i32 to index
          %swap3A_185 = arith.index_cast %add3A_161 : i32 to index
          %swap3A_186 = tpu.vector_load %arg11[%swap3A_184, %swap3A_185] {strides = array<i32>} : memref<2x128xi32, #tpu.memory_space<vmem>>, vector<16xi32>,
          tpu.vector_store %arg11[%swap3A_184, %swap3A_185], %select_n3A_182 {strides = array<i32>} : memref<2x128xi32, #tpu.memory_space<vmem>>, vector<16xi32>,
          tpu.vector_store_idx %arg13[%select_n3A_182], %broadcast_in_dim3A_2 masked %and3A_173 {add = true} : memref<5120xf32, #tpu.memory_space<vmem>>[vector<16xi32>], vector<16xf32>, vector<16xi1>
        }
        %scan3A_144 = arith.constant 8 : i32
        %dma_start3A_145 = arith.constant 0 : i32
        %dma_start3A_146 = arith.constant 0 : i32
        %dma_start3A_147 = arith.constant 0 : i32
        %dma_start3A_148 = arith.constant 0 : i32
        %dma_start3A_149 = tpu.memref_slice %arg12[%dma_start3A_146, %dma_start3A_147, %dma_start3A_148] : memref<2x128x128xf32, #tpu.memory_space<vmem>> -> memref<1x128x128xf32, #tpu.memory_space<vmem>>
        %dma_start3A_150 = tpu.memref_squeeze %dma_start3A_149 : memref<1x128x128xf32, #tpu.memory_space<vmem>> -> memref<128x128xf32, #tpu.memory_space<vmem>>
        %dma_start3A_151 = arith.constant 0 : i32
        %dma_start3A_152 = tpu.memref_slice %arg10[%dma_start3A_145, %dma_start3A_151] : memref<2x128xi32, #tpu.memory_space<vmem>> -> memref<1x128xi32, #tpu.memory_space<vmem>>
        %dma_start3A_153 = tpu.memref_squeeze %dma_start3A_152 : memref<1x128xi32, #tpu.memory_space<vmem>> -> memref<128xi32, #tpu.memory_space<vmem>>
        %dma_start3A_154 = arith.constant 0 : i32
        %dma_start3A_155 = arith.constant 0 : i32
        %dma_start3A_156 = tpu.memref_slice %arg2[%dma_start3A_154, %dma_start3A_155] : memref<10240x128xf32, #tpu.memory_space<hbm>> -> memref<10240x128xf32, #tpu.memory_space<hbm>>
        tpu.enqueue_indirect_dma source(%dma_start3A_156 : memref<10240x128xf32, #tpu.memory_space<hbm>>) target(%dma_start3A_150 : memref<128x128xf32, #tpu.memory_space<vmem>>) offsets(%dma_start3A_153 : memref<128xi32, #tpu.memory_space<vmem>>) semaphore(%arg14 : memref<!tpu.dma_semaphore, #tpu.memory_space<semaphore_mem>>)
      } else {
      }
      %dma_wait3A_85 = arith.constant 1 : i32
      %dma_wait3A_86 = arith.constant 1 : i32
      %dma_wait3A_87 = arith.constant 0 : i32
      %dma_wait3A_88 = arith.constant 0 : i32
      %dma_wait3A_89 = tpu.memref_slice %arg12[%dma_wait3A_86, %dma_wait3A_87, %dma_wait3A_88] : memref<2x128x128xf32, #tpu.memory_space<vmem>> -> memref<1x128x128xf32, #tpu.memory_space<vmem>>
      %dma_wait3A_90 = tpu.memref_squeeze %dma_wait3A_89 : memref<1x128x128xf32, #tpu.memory_space<vmem>> -> memref<128x128xf32, #tpu.memory_space<vmem>>
      %dma_wait3A_91 = arith.constant 0 : i32
      %dma_wait3A_92 = tpu.memref_slice %arg10[%dma_wait3A_85, %dma_wait3A_91] : memref<2x128xi32, #tpu.memory_space<vmem>> -> memref<1x128xi32, #tpu.memory_space<vmem>>
      %dma_wait3A_93 = tpu.memref_squeeze %dma_wait3A_92 : memref<1x128xi32, #tpu.memory_space<vmem>> -> memref<128xi32, #tpu.memory_space<vmem>>
      %dma_wait3A_94 = arith.constant 0 : i32
      %dma_wait3A_95 = arith.constant 0 : i32
      %dma_wait3A_96 = tpu.memref_slice %arg2[%dma_wait3A_94, %dma_wait3A_95] : memref<10240x128xf32, #tpu.memory_space<hbm>> -> memref<10240x128xf32, #tpu.memory_space<hbm>>
      tpu.wait_indirect_dma semaphore(%arg15 : memref<!tpu.dma_semaphore, #tpu.memory_space<semaphore_mem>>) src(%dma_wait3A_96 : memref<10240x128xf32, #tpu.memory_space<hbm>>) dst(%dma_wait3A_90 : memref<128x128xf32, #tpu.memory_space<vmem>>)
      %run_scoped3A_97 = arith.constant 1 : i32
      %run_scoped3A_98 = arith.constant 1 : i32
      "tpu.region"() ({
        %run_scoped3A_99 = tpu.sem_alloc : memref<!tpu.dma_semaphore, #tpu.memory_space<semaphore_mem>>
        %dma_start3A_100 = arith.constant 0 : i32
        %dma_start3A_101 = arith.constant 0 : i32
        %dma_start3A_102 = tpu.memref_slice %arg12[%run_scoped3A_97, %dma_start3A_100, %dma_start3A_101] : memref<2x128x128xf32, #tpu.memory_space<vmem>> -> memref<1x128x128xf32, #tpu.memory_space<vmem>>
        %dma_start3A_103 = tpu.memref_squeeze %dma_start3A_102 : memref<1x128x128xf32, #tpu.memory_space<vmem>> -> memref<128x128xf32, #tpu.memory_space<vmem>>
        %dma_start3A_104 = arith.constant 0 : i32
        %dma_start3A_105 = tpu.memref_slice %arg11[%run_scoped3A_98, %dma_start3A_104] : memref<2x128xi32, #tpu.memory_space<vmem>> -> memref<1x128xi32, #tpu.memory_space<vmem>>
        %dma_start3A_106 = tpu.memref_squeeze %dma_start3A_105 : memref<1x128xi32, #tpu.memory_space<vmem>> -> memref<128xi32, #tpu.memory_space<vmem>>
        %dma_start3A_107 = arith.constant 0 : i32
        %dma_start3A_108 = arith.constant 0 : i32
        %dma_start3A_109 = tpu.memref_slice %arg7[%dma_start3A_107, %dma_start3A_108] : memref<5120x128xf32, #tpu.memory_space<vmem_shared>> -> memref<5120x128xf32, #tpu.memory_space<vmem_shared>>
        tpu.enqueue_indirect_dma source(%dma_start3A_103 : memref<128x128xf32, #tpu.memory_space<vmem>>) target(%dma_start3A_109 : memref<5120x128xf32, #tpu.memory_space<vmem_shared>>) offsets(%dma_start3A_106 : memref<128xi32, #tpu.memory_space<vmem>>) semaphore(%run_scoped3A_99 : memref<!tpu.dma_semaphore, #tpu.memory_space<semaphore_mem>>) {add = true}
        %dma_wait3A_110 = arith.constant 0 : i32
        %dma_wait3A_111 = arith.constant 0 : i32
        %dma_wait3A_112 = tpu.memref_slice %arg12[%run_scoped3A_97, %dma_wait3A_110, %dma_wait3A_111] : memref<2x128x128xf32, #tpu.memory_space<vmem>> -> memref<1x128x128xf32, #tpu.memory_space<vmem>>
        %dma_wait3A_113 = tpu.memref_squeeze %dma_wait3A_112 : memref<1x128x128xf32, #tpu.memory_space<vmem>> -> memref<128x128xf32, #tpu.memory_space<vmem>>
        %dma_wait3A_114 = arith.constant 0 : i32
        %dma_wait3A_115 = tpu.memref_slice %arg11[%run_scoped3A_98, %dma_wait3A_114] : memref<2x128xi32, #tpu.memory_space<vmem>> -> memref<1x128xi32, #tpu.memory_space<vmem>>
        %dma_wait3A_116 = tpu.memref_squeeze %dma_wait3A_115 : memref<1x128xi32, #tpu.memory_space<vmem>> -> memref<128xi32, #tpu.memory_space<vmem>>
        %dma_wait3A_117 = arith.constant 0 : i32
        %dma_wait3A_118 = arith.constant 0 : i32
        %dma_wait3A_119 = tpu.memref_slice %arg7[%dma_wait3A_117, %dma_wait3A_118] : memref<5120x128xf32, #tpu.memory_space<vmem_shared>> -> memref<5120x128xf32, #tpu.memory_space<vmem_shared>>
        tpu.wait_indirect_dma semaphore(%run_scoped3A_99 : memref<!tpu.dma_semaphore, #tpu.memory_space<semaphore_mem>>) src(%dma_wait3A_113 : memref<128x128xf32, #tpu.memory_space<vmem>>) dst(%dma_wait3A_119 : memref<5120x128xf32, #tpu.memory_space<vmem_shared>>)
        tpu.yield
      }) : () -> ()
    }
    %scan3A_50 = arith.constant 80 : i32
    %barrier3A_51 = arith.constant 0 : index
    tpu.barrier barrier_id(%barrier3A_51)
    "tpu.region"() ({
      %run_scoped3A = tpu.sem_alloc : memref<!tpu.dma_semaphore, #tpu.memory_space<semaphore_mem>>
      %dma_start3A_52 = arith.constant 0 : i32
      %dma_start3A_53 = tpu.memref_slice %arg5[%arg0, %mul3A_5, %dma_start3A_52] : memref<2x5120x128xf32, #tpu.memory_space<hbm>> -> memref<1x320x128xf32, #tpu.memory_space<hbm>>
      %dma_start3A_54 = tpu.memref_squeeze %dma_start3A_53 : memref<1x320x128xf32, #tpu.memory_space<hbm>> -> memref<320x128xf32, #tpu.memory_space<hbm>>
      %dma_start3A_55 = arith.constant 0 : i32
      %dma_start3A_56 = tpu.memref_slice %arg7[%mul3A_5, %dma_start3A_55] : memref<5120x128xf32, #tpu.memory_space<vmem_shared>> -> memref<320x128xf32, #tpu.memory_space<vmem_shared>>
      tpu.enqueue_dma source(%dma_start3A_56 : memref<320x128xf32, #tpu.memory_space<vmem_shared>>) target(%dma_start3A_54 : memref<320x128xf32, #tpu.memory_space<hbm>>) target_semaphore(%run_scoped3A : memref<!tpu.dma_semaphore, #tpu.memory_space<semaphore_mem>>)
      %dma_wait3A = arith.constant 0 : i32
      %dma_wait3A_57 = tpu.memref_slice %arg5[%arg0, %mul3A_5, %dma_wait3A] : memref<2x5120x128xf32, #tpu.memory_space<hbm>> -> memref<1x320x128xf32, #tpu.memory_space<hbm>>
      %dma_wait3A_58 = tpu.memref_squeeze %dma_wait3A_57 : memref<1x320x128xf32, #tpu.memory_space<hbm>> -> memref<320x128xf32, #tpu.memory_space<hbm>>
      %dma_wait3A_59 = arith.constant 0 : i32
      %dma_wait3A_60 = tpu.memref_slice %arg7[%mul3A_5, %dma_wait3A_59] : memref<5120x128xf32, #tpu.memory_space<vmem_shared>> -> memref<320x128xf32, #tpu.memory_space<vmem_shared>>
      tpu.wait_dma2 semaphore(%run_scoped3A : memref<!tpu.dma_semaphore, #tpu.memory_space<semaphore_mem>>) src(%dma_wait3A_60 : memref<320x128xf32, #tpu.memory_space<vmem_shared>>) dst(%dma_wait3A_58 : memref<320x128xf32, #tpu.memory_space<hbm>>)
      tpu.yield
    }) : () -> ()
    "tpu.region"() ({
      %run_scoped3A = tpu.sem_alloc : memref<!tpu.dma_semaphore, #tpu.memory_space<semaphore_mem>>
      %dma_start3A_52 = arith.constant 0 : i32
      %dma_start3A_53 = tpu.memref_slice %arg6[%arg0, %arg1, %dma_start3A_52] : memref<2x16x5120xf32, #tpu.memory_space<hbm>> -> memref<1x1x5120xf32, #tpu.memory_space<hbm>>
      %dma_start3A_54 = tpu.memref_squeeze %dma_start3A_53 : memref<1x1x5120xf32, #tpu.memory_space<hbm>> -> memref<5120xf32, #tpu.memory_space<hbm>>
      %dma_start3A_55 = arith.constant 0 : i32
      %dma_start3A_56 = tpu.memref_slice %arg6[%arg0, %arg1, %dma_start3A_55] : memref<2x16x5120xf32, #tpu.memory_space<hbm>> -> memref<1x1x5120xf32, #tpu.memory_space<hbm>>
      %dma_start3A_57 = tpu.memref_squeeze %dma_start3A_56 : memref<1x1x5120xf32, #tpu.memory_space<hbm>> -> memref<5120xf32, #tpu.memory_space<hbm>>
      tpu.enqueue_dma source(%arg13 : memref<5120xf32, #tpu.memory_space<vmem>>) target(%dma_start3A_57 : memref<5120xf32, #tpu.memory_space<hbm>>) target_semaphore(%run_scoped3A : memref<!tpu.dma_semaphore, #tpu.memory_space<semaphore_mem>>)
      %dma_wait3A = arith.constant 0 : i32
      %dma_wait3A_58 = tpu.memref_slice %arg6[%arg0, %arg1, %dma_wait3A] : memref<2x16x5120xf32, #tpu.memory_space<hbm>> -> memref<1x1x5120xf32, #tpu.memory_space<hbm>>
      %dma_wait3A_59 = tpu.memref_squeeze %dma_wait3A_58 : memref<1x1x5120xf32, #tpu.memory_space<hbm>> -> memref<5120xf32, #tpu.memory_space<hbm>>
      %dma_wait3A_60 = arith.constant 0 : i32
      %dma_wait3A_61 = tpu.memref_slice %arg6[%arg0, %arg1, %dma_wait3A_60] : memref<2x16x5120xf32, #tpu.memory_space<hbm>> -> memref<1x1x5120xf32, #tpu.memory_space<hbm>>
      %dma_wait3A_62 = tpu.memref_squeeze %dma_wait3A_61 : memref<1x1x5120xf32, #tpu.memory_space<hbm>> -> memref<5120xf32, #tpu.memory_space<hbm>>
      tpu.wait_dma2 semaphore(%run_scoped3A : memref<!tpu.dma_semaphore, #tpu.memory_space<semaphore_mem>>) src(%arg13 : memref<5120xf32, #tpu.memory_space<vmem>>) dst(%dma_wait3A_62 : memref<5120xf32, #tpu.memory_space<hbm>>)
      tpu.yield
    }) : () -> ()
    return
  }
}

module attributes {stable_mosaic.version = 14 : i64} {
  func.func @_tc_lin_r(%arg0: i32, %arg1: memref<1024x128xf32, #tpu.memory_space<vmem>>, %arg2: memref<128x128xf32, #tpu.memory_space<vmem>>, %arg3: memref<1x128xf32, #tpu.memory_space<vmem>>, %arg4: memref<1024x128xf32, #tpu.memory_space<vmem>>) attributes {dimension_semantics = [#tpu.dimension_semantics<arbitrary>], iteration_bounds = array<i64: 10>, scalar_prefetch = 0 : i64, scratch_operands = 0 : i64, tpu.core_type = #tpu.core_type<tc>, window_params = [{transform_indices = @transform_0, window_bounds = array<i64: 1024, 128>}, {pipeline_mode = #tpu.pipeline_mode<synchronous>, transform_indices = @transform_1, window_bounds = array<i64: 128, 128>}, {pipeline_mode = #tpu.pipeline_mode<synchronous>, transform_indices = @transform_2, window_bounds = array<i64: 1, 128>}, {transform_indices = @transform_3, window_bounds = array<i64: 1024, 128>}]} {
    %get3A = arith.constant 0 : index
    %get3A_0 = arith.constant 0 : index
    %get3A_1 = vector.load %arg1[%get3A, %get3A_0] : memref<1024x128xf32, #tpu.memory_space<vmem>>, vector<1024x128xf32>
    %get3A_2 = arith.constant 0 : index
    %get3A_3 = arith.constant 0 : index
    %get3A_4 = vector.load %arg2[%get3A_2, %get3A_3] : memref<128x128xf32, #tpu.memory_space<vmem>>, vector<128x128xf32>
    %dot_general3A = arith.constant dense<0.000000e+00> : vector<1024x128xf32>
    %dot_general3A_5 = tpu.matmul %get3A_1, %get3A_4, %dot_general3A {dimension_numbers = #tpu.dot_dimension_numbers<[1], [0], [0], [1], [0, 0, 1, 1], [], []>, transpose_lhs_hint = false} : vector<1024x128xf32>, vector<128x128xf32>, vector<1024x128xf32> -> vector<1024x128xf32>
    %get3A_6 = arith.constant 0 : index
    %get3A_7 = arith.constant 0 : index
    %get3A_8 = vector.load %arg3[%get3A_6, %get3A_7] : memref<1x128xf32, #tpu.memory_space<vmem>>, vector<1x128xf32>
    %add3A = vector.broadcast %get3A_8 : vector<1x128xf32> to vector<1024x128xf32>
    %add3A_9 = arith.addf %dot_general3A_5, %add3A : vector<1024x128xf32>
    %swap3A = arith.constant 0 : index
    %swap3A_10 = arith.constant 0 : index
    %swap3A_11 = vector.load %arg4[%swap3A, %swap3A_10] : memref<1024x128xf32, #tpu.memory_space<vmem>>, vector<1024x128xf32>
    tpu.vector_store %arg4[%swap3A, %swap3A_10], %add3A_9 {strides = array<i32>} : memref<1024x128xf32, #tpu.memory_space<vmem>>, vector<1024x128xf32>,
    return
  }
  func.func @transform_0(%arg0: i32) -> (i32, i32) {
    %c0_i32 = arith.constant 0 : i32
    %c0_i32_0 = arith.constant 0 : i32
    return %arg0, %c0_i32 : i32, i32
  }
  func.func @transform_1(%arg0: i32) -> (i32, i32) {
    %c0_i32 = arith.constant 0 : i32
    %c0_i32_0 = arith.constant 0 : i32
    %c0_i32_1 = arith.constant 0 : i32
    return %c0_i32, %c0_i32_0 : i32, i32
  }
  func.func @transform_2(%arg0: i32) -> (i32, i32) {
    %c0_i32 = arith.constant 0 : i32
    %c0_i32_0 = arith.constant 0 : i32
    %c0_i32_1 = arith.constant 0 : i32
    return %c0_i32, %c0_i32_0 : i32, i32
  }
  func.func @transform_3(%arg0: i32) -> (i32, i32) {
    %c0_i32 = arith.constant 0 : i32
    %c0_i32_0 = arith.constant 0 : i32
    return %arg0, %c0_i32 : i32, i32
  }
}

module attributes {stable_mosaic.version = 14 : i64} {
  func.func @_tc_combine(%arg0: i32, %arg1: memref<1024x128xf32, #tpu.memory_space<vmem>>, %arg2: memref<16x1024xf32, #tpu.memory_space<vmem>>, %arg3: memref<1024x128xf32, #tpu.memory_space<vmem>>, %arg4: memref<128x128xf32, #tpu.memory_space<vmem>>, %arg5: memref<1024x128xf32, #tpu.memory_space<vmem>>) attributes {dimension_semantics = [#tpu.dimension_semantics<arbitrary>], iteration_bounds = array<i64: 10>, scalar_prefetch = 0 : i64, scratch_operands = 0 : i64, tpu.core_type = #tpu.core_type<tc>, window_params = [{transform_indices = @transform_0, window_bounds = array<i64: 1024, 128>}, {transform_indices = @transform_1, window_bounds = array<i64: 16, 1024>}, {transform_indices = @transform_2, window_bounds = array<i64: 1024, 128>}, {pipeline_mode = #tpu.pipeline_mode<synchronous>, transform_indices = @transform_3, window_bounds = array<i64: 128, 128>}, {transform_indices = @transform_4, window_bounds = array<i64: 1024, 128>}]} {
    %broadcast_in_dim3A = arith.constant 1.000000e+00 : f32
    %broadcast_in_dim3A_0 = vector.broadcast %broadcast_in_dim3A : f32 to vector<16x1xf32>
    %get3A = arith.constant 0 : index
    %get3A_1 = arith.constant 0 : index
    %get3A_2 = vector.load %arg2[%get3A, %get3A_1] : memref<16x1024xf32, #tpu.memory_space<vmem>>, vector<16x1024xf32>
    %dot_general3A = arith.constant dense<0.000000e+00> : vector<1024x1xf32>
    %dot_general3A_3 = tpu.matmul %get3A_2, %broadcast_in_dim3A_0, %dot_general3A {dimension_numbers = #tpu.dot_dimension_numbers<[0], [0], [1], [1], [0, 1, 1, 1], [], []>, transpose_lhs_hint = false} : vector<16x1024xf32>, vector<16x1xf32>, vector<1024x1xf32> -> vector<1024x1xf32>
    %get3A_4 = arith.constant 0 : index
    %get3A_5 = arith.constant 0 : index
    %get3A_6 = vector.load %arg1[%get3A_4, %get3A_5] : memref<1024x128xf32, #tpu.memory_space<vmem>>, vector<1024x128xf32>
    %jit3A = arith.constant 1.000000e+00 : f32
    %max3A = vector.broadcast %jit3A : f32 to vector<1024x1xf32>
    %max3A_7 = arith.maximumf %max3A, %dot_general3A_3 : vector<1024x1xf32>
    %div3A = vector.broadcast %max3A_7 : vector<1024x1xf32> to vector<1024x128xf32>
    %div3A_8 = arith.divf %get3A_6, %div3A : vector<1024x128xf32>
    %get3A_9 = arith.constant 0 : index
    %get3A_10 = arith.constant 0 : index
    %get3A_11 = vector.load %arg4[%get3A_9, %get3A_10] : memref<128x128xf32, #tpu.memory_space<vmem>>, vector<128x128xf32>
    %dot_general3A_12 = arith.constant dense<0.000000e+00> : vector<1024x128xf32>
    %dot_general3A_13 = tpu.matmul %div3A_8, %get3A_11, %dot_general3A_12 {dimension_numbers = #tpu.dot_dimension_numbers<[1], [0], [0], [1], [0, 0, 1, 1], [], []>, transpose_lhs_hint = false} : vector<1024x128xf32>, vector<128x128xf32>, vector<1024x128xf32> -> vector<1024x128xf32>
    %get3A_14 = arith.constant 0 : index
    %get3A_15 = arith.constant 0 : index
    %get3A_16 = vector.load %arg3[%get3A_14, %get3A_15] : memref<1024x128xf32, #tpu.memory_space<vmem>>, vector<1024x128xf32>
    %add3A = arith.addf %dot_general3A_13, %get3A_16 : vector<1024x128xf32>
    %swap3A = arith.constant 0 : index
    %swap3A_17 = arith.constant 0 : index
    %swap3A_18 = vector.load %arg5[%swap3A, %swap3A_17] : memref<1024x128xf32, #tpu.memory_space<vmem>>, vector<1024x128xf32>
    tpu.vector_store %arg5[%swap3A, %swap3A_17], %add3A {strides = array<i32>} : memref<1024x128xf32, #tpu.memory_space<vmem>>, vector<1024x128xf32>,
    return
  }
  func.func @transform_0(%arg0: i32) -> (i32, i32) {
    %c0_i32 = arith.constant 0 : i32
    %c0_i32_0 = arith.constant 0 : i32
    return %arg0, %c0_i32 : i32, i32
  }
  func.func @transform_1(%arg0: i32) -> (i32, i32) {
    %c0_i32 = arith.constant 0 : i32
    %c0_i32_0 = arith.constant 0 : i32
    return %c0_i32, %arg0 : i32, i32
  }
  func.func @transform_2(%arg0: i32) -> (i32, i32) {
    %c0_i32 = arith.constant 0 : i32
    %c0_i32_0 = arith.constant 0 : i32
    return %arg0, %c0_i32 : i32, i32
  }
  func.func @transform_3(%arg0: i32) -> (i32, i32) {
    %c0_i32 = arith.constant 0 : i32
    %c0_i32_0 = arith.constant 0 : i32
    %c0_i32_1 = arith.constant 0 : i32
    return %c0_i32, %c0_i32_0 : i32, i32
  }
  func.func @transform_4(%arg0: i32) -> (i32, i32) {
    %c0_i32 = arith.constant 0 : i32
    %c0_i32_0 = arith.constant 0 : i32
    return %arg0, %c0_i32 : i32, i32
  }
}

</mosaic_0001>

<sc_bundles>
// kernel: kernel.5.cloned.1.call-start
scs
__scs_entry_jumppad:
0x0: {  	(pc) =	sbr.rel $0x88, $3  }
0x1: {  	(tag) =	ssettag $0x0;
	lr =	simm.s32 $0x1  }
0x2: {  	[smem:$0x3F9C] =	sst lr;
	_ =	strace $0xD0000000  }
0x3: {  	_ = 	snop  }
0x4: {  	_ = 	snop  }
0x5: {  	_ = 	snop  }
0x6: {  	_ = 	snop  }
0x7: {  	_ = 	snop  }
__scs_overlays_trampoline_lowered:
0x8: {  	[smem:$0x3FAB] =	sst s0  }
0x9: {  	[smem:$0x3FAC] =	sst s1  }
0xa: {  	[smem:$0x3FAD] =	sst s2  }
0xb: {  	[smem:$0x3FAE] =	sst s3  }
0xc: {  	[smem:$0x3FAF] =	sst s4  }
0xd: {  	[smem:$0x3FB0] =	sst s5  }
0xe: {  	[smem:$0x3FB1] =	sst s6  }
0xf: {  	[smem:$0x3FB2] =	sst s7  }
0x10: {  	[smem:$0x3FB3] =	sst s8  }
0x11: {  	[smem:$0x3FB4] =	sst s9;
	s0 =	simm.s32 @!p0 $0x0  }
0x12: {  	s1 =	sld [smem:$0x3F9A];
	s0 =	simm.s32 @p0 $0x1  }
0x13: {  	[smem:$0x3FB5] =	sst s0;
	s0 =	simm.s32 @!p1 $0x0  }
0x14: {  	s2 =	sld [smem:$0x3F99];
	s0 =	simm.s32 @p1 $0x1  }
0x15: {  	[smem:$0x3FB6] =	sst s0;
	s0 =	simm.s32 @!p2 $0x0  }
0x16: {  	s3 =	sld [smem:$0x3FDB];
	s0 =	simm.s32 @p2 $0x1  }
0x17: {  	s4 =	simm.s32 $0x1BF5;
	[smem:$0x3FB8] =	sst s0  }
0x18: {  	s0 =	sld [smem:$0x3F9B];
	_ =	swait.ge [sflag:s4], $0x0  }
0x19: {  	s7 =	sld [smem:$0x3F9C]  }
0x1a: {  	s8 =	sadd.s32 $0xFFFFE003, lr  }
0x1b: {  	s9 =	sadd.s32 $0xFFFFFEF7, lr;
	s5 =	simm.s32 $0xFFFFFFFF;
	p2 =	slt.u32 s8, $0xFFFFF086  }
0x1c: {  	p1 =	slt.u32 s9, $0xF7A;
	s5 =	simm.s32 @!p2 $0x0  }
0x1d: {  	s5 =	simm.s32 @p1 $0x1;
	p0 =	seq.s32 s7, s2  }
0x1e: {  	s7 =	smul.u32 @!p0 $0xF7A, s2;
	p2 =	seq.s32 @!p0 s5, $0x0  }
0x1f: {  	s9 =	smul.u32 $0xF7A, s1;
	s8 =	simm.s32 @!p0 $0x1BF5;
	p2 =	por !p2, p0  }
0x20: {  	[sflag:s8] =	ssyncset.s32 @!p0 $0xFFFFF086;
	s6 =	sadd.s32 @!p0 s3, s7;
	s7 =	simm.s32 @!p0 $0x108  }
0x21: {  	s3 =	sadd.s32 s3, s9;
	s6 =	sadd.s32 @!p0 $0x88, s6;
	s7 =	simm.s32 @p2 $0x1082  }
0x22: {  	[simem:s7], [sflag:s8] =	dma.local @!p0 [hbm:s6], $0xF7A  }
0x23: {  	s9 =	sor.u32 $0xD0000000, s2;
	s6 =	simm.s32 $0x108;
	_ =	swait.ge @!p0 [sflag:s8], $0x0  }
0x24: {  	s3 =	sadd.s32 $0x88, s3;
	s6 =	simm.s32 @!p1 $0x1082;
	[sflag:s4] =	ssyncset.s32 $0xFFFFF086  }
0x25: {  	[simem:s6], [sflag:s4] =	dma.local [hbm:s3], $0xF7A  }
0x26: {  	[smem:$0x3F9C] =	sst s1;
	(tag) =	ssettag s2;
	_ =	strace s9  }
0x27: {  	s1 =	sld [smem:$0x3FAC]  }
0x28: {  	s2 =	sld [smem:$0x3FAD]  }
0x29: {  	s4 =	sld [smem:$0x3FAF]  }
0x2a: {  	p0 =	seq.s32 s5, $0x0;
	s5 =	sld [smem:$0x3FB0]  }
0x2b: {  	s6 =	sld [smem:$0x3FB1]  }
0x2c: {  	s7 =	sld [smem:$0x3FB2]  }
0x2d: {  	s3 =	simm.s32 $0x108;
	s8 =	sld [smem:$0x3FB3]  }
0x2e: {  	s3 =	simm.s32 @!p0 $0x1082;
	s9 =	sld [smem:$0x3FB4]  }
0x2f: {  	lr =	sadd.s32 s0, s3;
	s0 =	sld [smem:$0x3FAB]  }
0x30: {  	s3 =	sld [smem:$0x3FAE]  }
0x31: {  	[smem:$0x3FB7] =	sst s10  }
0x32: {  	s10 =	sld [smem:$0x3FB5];
	_ =	sdelay $0x3  }
0x33: {  	p0 =	seq.s32 s10, $0x1;
	s10 =	sld [smem:$0x3FB7];
	_ =	sdelay $0x3  }
0x34: {  	[smem:$0x3FB7] =	sst s10  }
0x35: {  	s10 =	sld [smem:$0x3FB6];
	_ =	sdelay $0x3  }
0x36: {  	p1 =	seq.s32 s10, $0x1;
	s10 =	sld [smem:$0x3FB7];
	_ =	sdelay $0x3  }
0x37: {  	[smem:$0x3FB7] =	sst s10  }
0x38: {  	s10 =	sld [smem:$0x3FB8]  }
0x39: {  	_ = 	snop;
	(pc) =	sbr.ind lr, $3  }
0x3a: {  	_ = 	snop  }
0x3b: {  	_ = 	snop  }
0x3c: {  	p2 =	seq.s32 s10, $0x1;
	s10 =	sld [smem:$0x3FB7]  }
0x3d: {  	_ =	shalt  }
0x3e: {  	_ =	shalt  }
0x3f: {  	_ =	shalt  }
0x40: {  	_ =	shalt  }
0x41: {  	_ =	shalt  }
0x42: {  	_ =	shalt  }
0x43: {  	_ =	shalt  }
0x44: {  	_ =	shalt  }
0x45: {  	_ =	shalt  }
0x46: {  	_ =	shalt  }
0x47: {  	_ =	shalt  }
0x48: {  	_ =	shalt  }
0x49: {  	_ =	shalt  }
0x4a: {  	_ =	shalt  }
0x4b: {  	_ =	shalt  }
0x4c: {  	_ =	shalt  }
0x4d: {  	_ =	shalt  }
0x4e: {  	_ =	shalt  }
0x4f: {  	_ =	shalt  }
0x50: {  	_ =	shalt  }
0x51: {  	_ =	shalt  }
0x52: {  	_ =	shalt  }
0x53: {  	_ =	shalt  }
0x54: {  	_ =	shalt  }
0x55: {  	_ =	shalt  }
0x56: {  	_ =	shalt  }
0x57: {  	_ =	shalt  }
0x58: {  	_ =	shalt  }
0x59: {  	_ =	shalt  }
0x5a: {  	_ =	shalt  }
0x5b: {  	_ =	shalt  }
0x5c: {  	_ =	shalt  }
0x5d: {  	_ =	shalt  }
0x5e: {  	_ =	shalt  }
0x5f: {  	_ =	shalt  }
0x60: {  	_ =	shalt  }
0x61: {  	_ =	shalt  }
0x62: {  	_ =	shalt  }
0x63: {  	_ =	shalt  }
0x64: {  	_ =	shalt  }
0x65: {  	_ =	shalt  }
0x66: {  	_ =	shalt  }
0x67: {  	_ =	shalt  }
0x68: {  	_ =	shalt  }
0x69: {  	_ =	shalt  }
0x6a: {  	_ =	shalt  }
0x6b: {  	_ =	shalt  }
0x6c: {  	_ =	shalt  }
0x6d: {  	_ =	shalt  }
0x6e: {  	_ =	shalt  }
0x6f: {  	_ =	shalt  }
0x70: {  	_ =	shalt  }
0x71: {  	_ =	shalt  }
0x72: {  	_ =	shalt  }
0x73: {  	_ =	shalt  }
0x74: {  	_ =	shalt  }
0x75: {  	_ =	shalt  }
0x76: {  	_ =	shalt  }
0x77: {  	_ =	shalt  }
0x78: {  	_ =	shalt  }
0x79: {  	_ =	shalt  }
0x7a: {  	_ =	shalt  }
0x7b: {  	_ =	shalt  }
0x7c: {  	_ =	shalt  }
0x7d: {  	_ =	shalt  }
0x7e: {  	_ =	shalt  }
0x7f: {  	_ =	shalt  }
0x80: {  	_ =	shalt  }
0x81: {  	_ =	shalt  }
0x82: {  	_ =	shalt  }
0x83: {  	_ =	shalt  }
0x84: {  	_ =	shalt  }
0x85: {  	_ =	shalt  }
0x86: {  	_ =	shalt  }
0x87: {  	_ =	shalt  }
.Lfunc_end0:
.L_simem_size_0:
called_computation_lowered:
.L_overlay_start_0:
0x88: {  	s2 =	sld [smem:$0x3FD9]  }
0x89: {  	s3 =	sld [smem:$0x3FFE];
	_ =	sdelay $0x1  }
0x8a: {  	s1 =	srdreg.scid  }
0x8b: {  	s0 =	sand.u32 $0x1, s1  }
0x8c: {  	s17 =	sshll.u32 s0, $0xA;
	s2 =	sadd.s32 s3, s2  }
0x8d: {  	s2 =	sadd.s32 s2, s17  }
0x8e: {  	[smem:$0x3FC3] =	sst s2  }
0x8f: {  	_ = 	snop  }
0x90: {  	s2 =	sld [smem:$0x3FD0];
	(tm) =	ssettm $0x1  }
0x91: {  	s18 =	sld [smem:$0x3FFB];
	_ =	sdelay $0x3  }
0x92: {  	_ =	strace s18  }
0x93: {  	s3 =	sld [smem:$0x3FFC];
	_ =	sdelay $0x3  }
0x94: {  	_ =	strace s3  }
0x95: {  	s3 =	sld [smem:$0x3FFD];
	_ =	sdelay $0x3  }
0x96: {  	_ =	strace s3  }
0x97: {  	_ =	strace $0x8FFFFFFF  }
0x98: {  	s19 =	sld [smem:$0x3FDB];
	_ =	sdelay $0x1  }
0x99: {  	s4 =	simm.s32 $_scs_section_size  }
0x9a: {  	s5 =	simm.s32 $_size__tile_overlayer_lowered;
	s6 =	simm.s32 $_tile_overlayer_lowered  }
0x9b: {  	s22 =	simm.s32 $0x1BFF;
	s21 =	sshll.u32 s6, $0x1;
	s3 =	sadd.s32 s4, s19  }
0x9c: {  	s7 =	simm.s32 $0x0;
	s20 =	sshll.u32 s5, $0x1;
	s5 =	sadd.s32 s21, s3  }
0x9d: {  	[timem:s7], [sflag:s22] =	dma.local [hbm:s5], s20  }
0x9e: {  	_ =	swait.ge [sflag:s22], s20  }
0x9f: {  	s4 =	ssub.s32 $0x0, s20;
	[sflag:s22] =	ssyncset.done $0x0  }
0xa0: {  	[sflag:s22] =	ssyncadd.s32 s4;
	_ =	sdelay $0x1  }
0xa1: {  	s23 =	simm.s32 $0x1B8B  }
0xa2: {  	_ =	swait.ge [sflag:s23], $0x1  }
0xa3: {  	[sflag:s23] =	ssyncset.done $0x0  }
0xa4: {  	s25 =	simm.s32 $0x1B8E;
	s24 =	sld [smem:$0x3FFE];
	[sflag:s23] =	ssyncadd.s32 $0xFFFFFFFF  }
0xa5: {  	s26 =	simm.s32 $execute0_lowered;
	[smem:$0x3FD2] =	sst s25  }
0xa6: {  	s5 =	sshll.u32 s26, $0x1;
	_ =	strace $0x80000046;
	[dreg:$0x1] =	wrdreg $0xFFFFFFFF  }
0xa7: {  	s28 =	simm.s32 $_size_execute0_lowered;
	s3 =	sadd.s32 s3, s5;
	[dreg:$0x0] =	wrdreg $0x0  }
0xa8: {  	s5 =	sshll.u32 s28, $0x1;
	[dreg:$0x2] =	wrdreg s3  }
0xa9: {  	[dreg:$0x3] =	wrdreg s5  }
0xaa: {  	[dreg:$0x4] =	wrdreg $0xC0  }
0xab: {  	_ =	task [dreg:s7], $0x5FFFF  }
0xac: {  	[dreg:$0x1] =	wrdreg $0xFFFFFFFF  }
0xad: {  	[dreg:$0x0] =	wrdreg $0x60  }
0xae: {  	[dreg:$0x2] =	wrdreg s24  }
0xaf: {  	[dreg:$0x3] =	wrdreg s2  }
0xb0: {  	[dreg:$0x4] =	wrdreg $0x0  }
0xb1: {  	[dreg:$0x5] =	wrdreg $0x9  }
0xb2: {  	_ =	task.clear_ibuf [dreg:s7], $0x6FFFF;
	_ =	strace $0x90000046  }
0xb3: {  	s29 =	simm.s32 $0x9;
	_ =	strace $0x80000048  }
0xb4: {  	_ =	swait.ge [sflag:s29], $0x1  }
0xb5: {  	[sflag:s29] =	ssyncadd.s32 $0xFFFFFFFF  }
0xb6: {  	_ =	strace $0x90000048  }
0xb7: {  	_ =	sfence  }
0xb8: {  	s30 =	sld [smem:$0x0];
	_ =	sdelay $0x2  }
0xb9: {  	s31 =	sshll.u32 s1, $0xD;
	s1 =	sshrl.u32 s1, $0x2  }
0xba: {  	s3 =	sand.u32 $0x4000, s31;
	s1 =	sadd.s32 s1, s30  }
0xbb: {  	s0 =	sor.u32 s3, s0;
	s1 =	sshll.u32 s1, $0x11  }
0xbc: {  	s0 =	sor.u32 s1, s0  }
0xbd: {  	s0 =	sadd.s32 $0x8F2B, s0  }
0xbe: {  	[sflag:s0] =	ssyncadd.remote.s32 $0x1  }
0xbf: {  	_ =	sfence.sel $0xFFFF  }
0xc0: {  	[dreg:$0x0] =	wrdreg $0xFFFFFFFF;
	(pc) =	sbr.abs _section_cstart, $3  }
0xc1: {  	[dreg:$0x1] =	wrdreg $0xFFFFFFFF  }
0xc2: {  	_ =	task.clear_ibuf [dreg:s7], $0x2FFFF;
	_ =	strace $0x9FFFFFFF  }
0xc3: {  	(tm) =	ssettm $0x7FFFFFFF  }
tec
execute0_lowered:
.L_overlay_start_1:
0x0: {  	(tag) =	ssettag $0x1  }
0x1: {  	s0 =	rddreg [dreg:$0x0]  }
0x2: {  	s2 =	rddreg [dreg:$0x1];
	s1 =	srdreg.scid  }
0x3: {  	s3 =	rddreg [dreg:$0x2];
	s14 =	stileid.u32;
	s4 =	simm.s32 $0x0  }
0x4: {  	s28 =	simm.s32 $0xC880;
	s29 =	simm.s32 $0x10A00;
	s7 =	smul.u32 $0xA000, s14  }
0x5: {  	s30 =	simm.s32 $0x1;
	s1 =	sand.u32 $0x1, s1;
	s26 =	smul.u32 $0x28000, s14  }
0x6: {  	s31 =	simm.s32 $0xC900;
	s5 =	sshrl.u32 s14, $0x3;
	s6 =	smul.u32 $0xA0000, s1  }
0x7: {  	[smem:$0x7FF] =	sst s4;
	s10 =	sshll.u32 s14, $0x7;
	s8 =	smul.u32 $0x14000, s1  }
0x8: {  	s16 =	sshll.u32 s14, $0x6;
	s9 =	smul.u32 $0xA000, s5;
	_ =	strace $0x80000047  }
0x9: {  	s5 =	sadd.s32 $0xB400, s0;
	s24 =	sand.u32 $0x380, s10;
	s25 =	ssub.s32 $0x2, s1  }
0xa: {  	s1 =	smul.u32 $0x1400, s1;
	s13 =	sshrl.u32 s25, $0x1;
	s15 =	sshrl.u32 s26, $0x2  }
0xb: {  	s7 =	sadd.s32 s7, s6;
	s8 =	sadd.s32 s8, s9;
	s6 =	sadd.s32 $0x1400, s0  }
0xc: {  	s13 =	ssub.s32 s25, s13;
	s10 =	sadd.s32 s15, s3;
	s9 =	sor.u32 $0x1C03, s16  }
0xd: {  	s16 =	simm.s32 $0x3;
	v0 =	vmov s1;
	s1 =	simm.s32 $0xC980;
	s7 =	sshrl.u32 s7, $0x3  }
0xe: {  	s8 =	sor.u32 s24, s8;
	s21 =	smax.u32 s13, $0x1;
	s22 =	sadd.s32 $0x2000, s10  }
0xf: {  	s23 =	sadd.s32 $0x4000, s10;
	s24 =	sadd.s32 $0x6000, s10;
	s25 =	sadd.s32 $0x8000, s10  }
0x10: {  	s15 =	sshrl.u32 s10, $0x3;
	s8 =	sshrl.u32 s8, $0x3;
	s11 =	sadd.s32 s7, s0  }
0x11: {  	s7 =	smul.u32 $0xA00, s14;
	[dreg:$0x8] =	wrdreg s21;
	s26 =	sshrl.u32 s23, $0x3  }
0x12: {  	s23 =	simm.s32 $0x14A00;
	s12 =	sadd.s32 s8, s0;
	s8 =	sadd.s32 $0x32800, s0  }
0x13: {  	s19 =	sadd.s32 $0x38400, s11;
	s0 =	sshrl.u32 s22, $0x3;
	[dreg:$0xa] =	wrdreg s26  }
.Ltmp0:
0x14: {  	s26 =	simm.s32 $0xCA00;
	[dreg:$0x6] =	wrdreg s19;
	(pc) =	sbr.rel .LBB2_1-.Ltmp0, $4  }
0x15: {  	s17 =	sadd.s32 s6, s7;
	s18 =	sadd.s32 s2, s7;
	[dreg:$0x9] =	wrdreg s0  }
0x16: {  	s20 =	sadd.s32 $0x33400, s12;
	s19 =	sshrl.u32 s24, $0x3;
	[dreg:$0x4] =	wrdreg s17  }
0x17: {  	s24 =	simm.s32 $0x80;
	s0 =	simm.s32 $0x2;
	[dreg:$0x5] =	wrdreg s18  }
0x18: {  	v1 =	vimm.f32 $0.0e+00;
	v2 =	vimm.f32 $1.000000000e+00;
	[dreg:$0x7] =	wrdreg s20;
	s20 =	sshrl.u32 s25, $0x3;
	s25 =	simm.s32 $0xC800  }
.LBB2_7:
0x19: {  	[bflag:$0x0] =	sbarrier.arrive $0xFFFF  }
0x1a: {  	s10 =	rddreg [dreg:$0x6]  }
0x1b: {  	[hbm:s10], [sflag:s9] =	dma.local [spmem:s15], $0x1400  }
0x1c: {  	_ =	swait.ge [sflag:s16], $0x1400  }
0x1d: {  	[sflag:s16] =	ssyncset.done $0x0  }
0x1e: {  	s11 =	simm.s32 $0x400;
	s21 =	rddreg [dreg:$0x7];
	[sflag:s16] =	ssyncadd.s32 $0xFFFFEC00  }
0x1f: {  	[hbm4b:s21+s24] =	stream.strided.scatter [tilespmem:s23], [sflag:$0x3], $0x1400, s11, s24, $0x38;
	[tilespmem:$0x15E00] =	vst v63  }
0x20: {  	_ =	swait.ge [sflag:s16], $0x1400  }
0x21: {  	s4 =	sadd.s32 $0x1, s4;
	s22 =	rddreg [dreg:$0x8]  }
0x22: {  	p0 =	sne.s32 s4, s22  }
.Ltmp1:
0x23: {  	_ = 	snop;
	(pc) =	sbr.rel @!p0 .LBB2_8-.Ltmp1, $3  }
0x24: {  	_ =	sdelay $0x1  }
0x25: {  	[sflag:s16] =	ssyncset.done $0x0  }
0x26: {  	[sflag:s16] =	ssyncadd.s32 $0xFFFFEC00  }
.LBB2_1:
0x27: {  	s10 =	simm.s32 $0x40;
	s11 =	simm.s32 $0x0  }
.LBB2_2:
0x28: {  	p0 =	sne.s32 s10, $0x4FC0;
	[tilespmem:s11+$0x14A00] =	vst v1;
	s11 =	smov.u32 s10;
	s10 =	sadd.s32 $0x40, s10  }
.Ltmp2:
0x29: {  	(pc) =	sbr.rel @p0 .LBB2_2-.Ltmp2, $2  }
0x2a: {  	_ =	sdelay $0x2  }
0x2b: {  	s11 =	sshra.s32 s11, $0x2  }
0x2c: {  	[tilespmem:s11+$0x14A00] =	vst v1  }
0x2d: {  	[spmem:s15], [sflag:s9] =	dma.local [hbm:s8], $0x400  }
0x2e: {  	_ =	swait.ge [sflag:s16], $0x400  }
0x2f: {  	[sflag:s16] =	ssyncset.done $0x0  }
0x30: {  	s10 =	rddreg [dreg:$0x9];
	[sflag:s16] =	ssyncadd.s32 $0xFFFFFC00  }
0x31: {  	[spmem:s10], [sflag:s9] =	dma.local [hbm:s8], $0x400  }
0x32: {  	_ =	swait.ge [sflag:s16], $0x400  }
0x33: {  	[sflag:s16] =	ssyncset.done $0x0  }
0x34: {  	s13 =	rddreg [dreg:$0xa];
	[sflag:s16] =	ssyncadd.s32 $0xFFFFFC00  }
0x35: {  	[spmem:s13], [sflag:s9] =	dma.local [hbm:s8], $0x400  }
0x36: {  	_ =	swait.ge [sflag:s16], $0x400  }
0x37: {  	[sflag:s16] =	ssyncset.done $0x0  }
0x38: {  	[sflag:s16] =	ssyncadd.s32 $0xFFFFFC00  }
0x39: {  	[spmem:s19], [sflag:s9] =	dma.local [hbm:s8], $0x400  }
0x3a: {  	_ =	swait.ge [sflag:s16], $0x400  }
0x3b: {  	[sflag:s16] =	ssyncset.done $0x0  }
0x3c: {  	[sflag:s16] =	ssyncadd.s32 $0xFFFFFC00  }
0x3d: {  	[spmem:s20], [sflag:s9] =	dma.local [hbm:s8], $0x400  }
0x3e: {  	_ =	swait.ge [sflag:s16], $0x400  }
0x3f: {  	s22 =	simm.s32 $0x0;
	[sflag:s16] =	ssyncset.done $0x0  }
0x40: {  	s17 =	simm.s32 $0xA000;
	s14 =	rddreg [dreg:$0x4];
	[sflag:s16] =	ssyncadd.s32 $0xFFFFFC00  }
0x41: {  	[tilespmem:s17], [sflag:$0x3] =	stream.linear.gather [hbm4b:s14+s22], $0x1400, $0x38;
	[tilespmem:$0x15E00] =	vst v63  }
0x42: {  	_ =	swait.ge [sflag:s16], $0x1400  }
0x43: {  	[sflag:s16] =	ssyncset.done $0x0  }
0x44: {  	s21 =	simm.s32 $0xB400;
	s18 =	rddreg [dreg:$0x5];
	[sflag:s16] =	ssyncadd.s32 $0xFFFFEC00  }
0x45: {  	[tilespmem:s21], [sflag:$0x3] =	stream.linear.gather [hbm4b:s18+s22], $0x1400, $0x38;
	[tilespmem:$0x15E00] =	vst v63  }
0x46: {  	_ =	swait.ge [sflag:s16], $0x1400  }
0x47: {  	[sflag:s16] =	ssyncset.done $0x0  }
0x48: {  	[sflag:s16] =	ssyncadd.s32 $0xFFFFEC00  }
0x49: {  	[bflag:$0x0] =	sbarrier.arrive $0xFFFF  }
0x4a: {  	v3 =	vld [tilespmem:$0xB400];
	_ =	sdelay $0x3  }
0x4b: {  	v4 =	vld [tilespmem:$0xA000]  }
0x4c: {  	v3 =	vsub.s32 v3, v0  }
0x4d: {  	vm0 =	vlt.u32 v3, $0x1400  }
0x4e: {  	v3 =	vnsel vm0, $0x0, v3;
	_ =	sdelay $0x1  }
0x4f: {  	v4 =	vnsel vm0, $0x2710, v4  }
0x50: {  	[tilespmem:$0xC800] =	vst v4  }
0x51: {  	[tilespmem:$0xC900] =	vst v3  }
0x52: {  	[tilespmem:v3+s23+$0x0] =	vst.idx.add.f32.msk vm0, v2  }
0x53: {  	v3 =	vld [tilespmem:$0xB410];
	_ =	sdelay $0x3  }
0x54: {  	v57 =	vld [tilespmem:$0xA010]  }
0x55: {  	v3 =	vsub.s32 v3, v0  }
0x56: {  	vm9 =	vlt.u32 v3, $0x1400  }
0x57: {  	v3 =	vnsel vm9, $0x0, v3;
	_ =	sdelay $0x1  }
0x58: {  	v4 =	vnsel vm9, $0x2710, v57  }
0x59: {  	[tilespmem:$0xC810] =	vst v4  }
0x5a: {  	[tilespmem:$0xC910] =	vst v3  }
0x5b: {  	[tilespmem:v3+s23+$0x0] =	vst.idx.add.f32.msk vm9, v2  }
0x5c: {  	v3 =	vld [tilespmem:$0xB420];
	_ =	sdelay $0x3  }
0x5d: {  	v58 =	vld [tilespmem:$0xA020]  }
0x5e: {  	v3 =	vsub.s32 v3, v0  }
0x5f: {  	vm10 =	vlt.u32 v3, $0x1400  }
0x60: {  	v3 =	vnsel vm10, $0x0, v3;
	_ =	sdelay $0x1  }
0x61: {  	v4 =	vnsel vm10, $0x2710, v58  }
0x62: {  	[tilespmem:$0xC820] =	vst v4  }
0x63: {  	[tilespmem:$0xC920] =	vst v3  }
0x64: {  	[tilespmem:v3+s23+$0x0] =	vst.idx.add.f32.msk vm10, v2  }
0x65: {  	v3 =	vld [tilespmem:$0xB430];
	_ =	sdelay $0x3  }
0x66: {  	v59 =	vld [tilespmem:$0xA030]  }
0x67: {  	v3 =	vsub.s32 v3, v0  }
0x68: {  	vm11 =	vlt.u32 v3, $0x1400  }
0x69: {  	v3 =	vnsel vm11, $0x0, v3;
	_ =	sdelay $0x1  }
0x6a: {  	v4 =	vnsel vm11, $0x2710, v59  }
0x6b: {  	[tilespmem:$0xC830] =	vst v4  }
0x6c: {  	[tilespmem:$0xC930] =	vst v3  }
0x6d: {  	[tilespmem:v3+s23+$0x0] =	vst.idx.add.f32.msk vm11, v2  }
0x6e: {  	v3 =	vld [tilespmem:$0xB440];
	_ =	sdelay $0x3  }
0x6f: {  	v60 =	vld [tilespmem:$0xA040]  }
0x70: {  	v3 =	vsub.s32 v3, v0  }
0x71: {  	vm12 =	vlt.u32 v3, $0x1400  }
0x72: {  	v3 =	vnsel vm12, $0x0, v3;
	_ =	sdelay $0x1  }
0x73: {  	v4 =	vnsel vm12, $0x2710, v60  }
0x74: {  	[tilespmem:$0xC840] =	vst v4  }
0x75: {  	[tilespmem:$0xC940] =	vst v3  }
0x76: {  	[tilespmem:v3+s23+$0x0] =	vst.idx.add.f32.msk vm12, v2  }
0x77: {  	v3 =	vld [tilespmem:$0xB450];
	_ =	sdelay $0x3  }
0x78: {  	v61 =	vld [tilespmem:$0xA050]  }
0x79: {  	v3 =	vsub.s32 v3, v0  }
0x7a: {  	vm13 =	vlt.u32 v3, $0x1400  }
0x7b: {  	v3 =	vnsel vm13, $0x0, v3;
	_ =	sdelay $0x1  }
0x7c: {  	v4 =	vnsel vm13, $0x2710, v61  }
0x7d: {  	[tilespmem:$0xC850] =	vst v4  }
0x7e: {  	[tilespmem:$0xC950] =	vst v3  }
0x7f: {  	[tilespmem:v3+s23+$0x0] =	vst.idx.add.f32.msk vm13, v2  }
0x80: {  	v3 =	vld [tilespmem:$0xB460];
	_ =	sdelay $0x3  }
0x81: {  	v62 =	vld [tilespmem:$0xA060]  }
0x82: {  	v3 =	vsub.s32 v3, v0  }
0x83: {  	vm14 =	vlt.u32 v3, $0x1400  }
0x84: {  	v3 =	vnsel vm14, $0x0, v3;
	_ =	sdelay $0x1  }
0x85: {  	v4 =	vnsel vm14, $0x2710, v62  }
0x86: {  	[tilespmem:$0xC860] =	vst v4  }
0x87: {  	[tilespmem:$0xC960] =	vst v3  }
0x88: {  	[tilespmem:v3+s23+$0x0] =	vst.idx.add.f32.msk vm14, v2  }
0x89: {  	v3 =	vld [tilespmem:$0xB470];
	_ =	sdelay $0x3  }
0x8a: {  	v63 =	vld [tilespmem:$0xA070]  }
0x8b: {  	v3 =	vsub.s32 v3, v0  }
0x8c: {  	vm15 =	vlt.u32 v3, $0x1400  }
0x8d: {  	v3 =	vnsel vm15, $0x0, v3;
	_ =	sdelay $0x1  }
.Ltmp3:
0x8e: {  	v4 =	vnsel vm15, $0x2710, v63;
	(pc) =	sbr.rel .LBB2_4-.Ltmp3, $4  }
0x8f: {  	[tilespmem:$0xC870] =	vst v4  }
0x90: {  	[tilespmem:$0xC970] =	vst v3  }
0x91: {  	s11 =	simm.s32 $0x0;
	s10 =	simm.s32 $0x2;
	s21 =	simm.s32 $0x20;
	[tilespmem:v3+s23+$0x0] =	vst.idx.add.f32.msk vm15, v2  }
0x92: {  	[tilespmem:s26], [sflag:$0x1] =	stream.indirect.gather [hbm4b:s5+s24], $0x80, s25, s24, $0xb8;
	[tilespmem:$0x15E00] =	vst v63  }
.LBB2_6:
0x93: {  	_ =	swait.ge [sflag:s0], $0x4000;
	s11 =	sadd.s32 $0x400, s11  }
0x94: {  	[sflag:s0] =	ssyncset.done $0x0;
	p0 =	sne.s32 s11, $0x14000  }
.Ltmp4:
0x95: {  	[sflag:s0] =	ssyncadd.s32 $0xFFFFC000;
	(pc) =	sbr.rel @!p0 .LBB2_7-.Ltmp4, $4  }
0x96: {  	[spmem:s3] =	stream.indirect.scatter.add.f32 [tilespmem:s29], [sflag:$0x3], $0x80, s1, s24, $0xb8;
	[tilespmem:$0x15E00] =	vst v63  }
0x97: {  	_ =	swait.ge [sflag:s16], $0x4000  }
0x98: {  	s22 =	sadd.s32 $0x2, s22;
	[sflag:s16] =	ssyncset.done $0x0  }
0x99: {  	s21 =	sadd.s32 $0x20, s21;
	s10 =	sadd.s32 $0x2, s10;
	[sflag:s16] =	ssyncadd.s32 $0xFFFFC000  }
.LBB2_4:
0x9a: {  	s12 =	sor.u32 $0x1, s22  }
0x9b: {  	s13 =	sand.u32 $0xFF, s12  }
0x9c: {  	s13 =	smul.u32 $0xCD, s13;
	_ =	sdelay $0x1  }
0x9d: {  	s13 =	sshrl.u32 s13, $0xD  }
0x9e: {  	s13 =	smul.u32 $0x28, s13;
	_ =	sdelay $0x1  }
0x9f: {  	s12 =	ssub.s32 s12, s13  }
0xa0: {  	s12 =	sand.u32 $0xFF, s12  }
0xa1: {  	s12 =	sshll.u32 s12, $0x7  }
0xa2: {  	v3 =	vld [tilespmem:s12+$0xB400];
	_ =	sdelay $0x2  }
0xa3: {  	s18 =	sor.u32 $0xA000, s12  }
0xa4: {  	v4 =	vld [tilespmem:s18+$0x0]  }
0xa5: {  	v3 =	vsub.s32 v3, v0  }
0xa6: {  	vm0 =	vlt.u32 v3, $0x1400  }
0xa7: {  	v3 =	vnsel vm0, $0x0, v3;
	_ =	sdelay $0x1  }
0xa8: {  	v4 =	vnsel vm0, $0x2710, v4  }
0xa9: {  	[tilespmem:$0xC880] =	vst v4  }
0xaa: {  	[tilespmem:$0xC980] =	vst v3  }
0xab: {  	[tilespmem:v3+s23+$0x0] =	vst.idx.add.f32.msk vm0, v2  }
0xac: {  	v3 =	vld [tilespmem:s12+$0xB410];
	_ =	sdelay $0x2  }
0xad: {  	s14 =	sor.u32 $0xA010, s12  }
0xae: {  	v4 =	vld [tilespmem:s14+$0x0]  }
0xaf: {  	v3 =	vsub.s32 v3, v0  }
0xb0: {  	vm9 =	vlt.u32 v3, $0x1400  }
0xb1: {  	v3 =	vnsel vm9, $0x0, v3;
	_ =	sdelay $0x1  }
0xb2: {  	v4 =	vnsel vm9, $0x2710, v4  }
0xb3: {  	[tilespmem:$0xC890] =	vst v4  }
0xb4: {  	[tilespmem:$0xC990] =	vst v3  }
0xb5: {  	[tilespmem:v3+s23+$0x0] =	vst.idx.add.f32.msk vm9, v2  }
0xb6: {  	v3 =	vld [tilespmem:s12+$0xB420];
	_ =	sdelay $0x2  }
0xb7: {  	s17 =	sor.u32 $0xA020, s12  }
0xb8: {  	v4 =	vld [tilespmem:s17+$0x0]  }
0xb9: {  	v3 =	vsub.s32 v3, v0  }
0xba: {  	vm10 =	vlt.u32 v3, $0x1400  }
0xbb: {  	v3 =	vnsel vm10, $0x0, v3;
	_ =	sdelay $0x1  }
0xbc: {  	v4 =	vnsel vm10, $0x2710, v4  }
0xbd: {  	[tilespmem:$0xC8A0] =	vst v4  }
0xbe: {  	[tilespmem:$0xC9A0] =	vst v3  }
0xbf: {  	[tilespmem:v3+s23+$0x0] =	vst.idx.add.f32.msk vm10, v2  }
0xc0: {  	v3 =	vld [tilespmem:s12+$0xB430];
	_ =	sdelay $0x2  }
0xc1: {  	s18 =	sor.u32 $0xA030, s12  }
0xc2: {  	v4 =	vld [tilespmem:s18+$0x0]  }
0xc3: {  	v3 =	vsub.s32 v3, v0  }
0xc4: {  	vm11 =	vlt.u32 v3, $0x1400  }
0xc5: {  	v3 =	vnsel vm11, $0x0, v3;
	_ =	sdelay $0x1  }
0xc6: {  	v4 =	vnsel vm11, $0x2710, v4  }
0xc7: {  	[tilespmem:$0xC8B0] =	vst v4  }
0xc8: {  	[tilespmem:$0xC9B0] =	vst v3  }
0xc9: {  	[tilespmem:v3+s23+$0x0] =	vst.idx.add.f32.msk vm11, v2  }
0xca: {  	v3 =	vld [tilespmem:s12+$0xB440];
	_ =	sdelay $0x2  }
0xcb: {  	s14 =	sor.u32 $0xA040, s12  }
0xcc: {  	v4 =	vld [tilespmem:s14+$0x0]  }
0xcd: {  	v3 =	vsub.s32 v3, v0  }
0xce: {  	vm12 =	vlt.u32 v3, $0x1400  }
0xcf: {  	v3 =	vnsel vm12, $0x0, v3;
	_ =	sdelay $0x1  }
0xd0: {  	v4 =	vnsel vm12, $0x2710, v4  }
0xd1: {  	[tilespmem:$0xC8C0] =	vst v4  }
0xd2: {  	[tilespmem:$0xC9C0] =	vst v3  }
0xd3: {  	[tilespmem:v3+s23+$0x0] =	vst.idx.add.f32.msk vm12, v2  }
0xd4: {  	v3 =	vld [tilespmem:s12+$0xB450];
	_ =	sdelay $0x2  }
0xd5: {  	s17 =	sor.u32 $0xA050, s12  }
0xd6: {  	v4 =	vld [tilespmem:s17+$0x0]  }
0xd7: {  	v3 =	vsub.s32 v3, v0  }
0xd8: {  	vm13 =	vlt.u32 v3, $0x1400  }
0xd9: {  	v3 =	vnsel vm13, $0x0, v3;
	_ =	sdelay $0x1  }
0xda: {  	v4 =	vnsel vm13, $0x2710, v4  }
0xdb: {  	[tilespmem:$0xC8D0] =	vst v4  }
0xdc: {  	[tilespmem:$0xC9D0] =	vst v3  }
0xdd: {  	[tilespmem:v3+s23+$0x0] =	vst.idx.add.f32.msk vm13, v2  }
0xde: {  	v3 =	vld [tilespmem:s12+$0xB460];
	_ =	sdelay $0x2  }
0xdf: {  	s18 =	sor.u32 $0xA060, s12  }
0xe0: {  	v4 =	vld [tilespmem:s18+$0x0]  }
0xe1: {  	v3 =	vsub.s32 v3, v0  }
0xe2: {  	vm14 =	vlt.u32 v3, $0x1400  }
0xe3: {  	v3 =	vnsel vm14, $0x0, v3;
	_ =	sdelay $0x1  }
0xe4: {  	v4 =	vnsel vm14, $0x2710, v4  }
0xe5: {  	[tilespmem:$0xC8E0] =	vst v4  }
0xe6: {  	[tilespmem:$0xC9E0] =	vst v3  }
0xe7: {  	[tilespmem:v3+s23+$0x0] =	vst.idx.add.f32.msk vm14, v2  }
0xe8: {  	v3 =	vld [tilespmem:s12+$0xB470];
	_ =	sdelay $0x2  }
0xe9: {  	s12 =	sor.u32 $0xA070, s12  }
0xea: {  	v4 =	vld [tilespmem:s12+$0x0]  }
0xeb: {  	v3 =	vsub.s32 v3, v0  }
0xec: {  	vm15 =	vlt.u32 v3, $0x1400  }
0xed: {  	v3 =	vnsel vm15, $0x0, v3;
	_ =	sdelay $0x1  }
0xee: {  	v4 =	vnsel vm15, $0x2710, v4  }
0xef: {  	[tilespmem:$0xC8F0] =	vst v4  }
0xf0: {  	[tilespmem:$0xC9F0] =	vst v3  }
0xf1: {  	[tilespmem:v3+s23+$0x0] =	vst.idx.add.f32.msk vm15, v2  }
0xf2: {  	[tilespmem:s29], [sflag:$0x2] =	stream.indirect.gather [hbm4b:s5+s24], $0x80, s28, s24, $0xb8;
	[tilespmem:$0x15E00] =	vst v63  }
0xf3: {  	_ =	swait.ge [sflag:s30], $0x4000  }
0xf4: {  	p0 =	seq.s32 s11, $0x13C00;
	[sflag:s30] =	ssyncset.done $0x0  }
.Ltmp5:
0xf5: {  	[sflag:s30] =	ssyncadd.s32 $0xFFFFC000;
	(pc) =	sbr.rel @p0 .LBB2_6-.Ltmp5, $4  }
0xf6: {  	[spmem:s3] =	stream.indirect.scatter.add.f32 [tilespmem:s26], [sflag:$0x3], $0x80, s31, s24, $0xb8;
	[tilespmem:$0x15E00] =	vst v63  }
0xf7: {  	_ =	swait.ge [sflag:s16], $0x4000  }
0xf8: {  	[sflag:s16] =	ssyncset.done $0x0  }
0xf9: {  	[sflag:s16] =	ssyncadd.s32 $0xFFFFC000  }
0xfa: {  	s12 =	smulhi.u32 $0xCCCCCCCD, s10;
	_ =	sdelay $0x1  }
0xfb: {  	s12 =	sshrl.u32 s12, $0x5  }
0xfc: {  	s13 =	smul.u32 $0x5000, s12;
	_ =	sdelay $0x1  }
0xfd: {  	s13 =	sadd.s32 $0xFFFFFC00, s13  }
0xfe: {  	p0 =	sne.s32 s13, s11  }
0xff: {  	s13 =	sadd.s32 @!p0 s21, s7  }
0x100: {  	s14 =	sand.u32 @!p0 $0x60, s21;
	s13 =	sand.u32 @!p0 $0x1FF80, s13  }
0x101: {  	s13 =	sor.u32 @!p0 s14, s13  }
0x102: {  	s17 =	simm.s32 @!p0 $0x0;
	s18 =	simm.s32 @!p0 $0xA000;
	s14 =	sadd.s32 @!p0 s6, s13  }
0x103: {  	[tilespmem:s18], [sflag:$0x3] =	stream.linear.gather @!p0 [hbm4b:s14+s17], $0x1400, $0x38;
	[tilespmem:$0x15E00] =	vst v63  }
0x104: {  	s14 =	simm.s32 @!p0 $0x3  }
0x105: {  	_ =	swait.ge @!p0 [sflag:s14], $0x1400  }
0x106: {  	s12 =	smul.u32 $0xFFFFB000, s12;
	[sflag:s14] =	ssyncset.done @!p0 $0x0  }
0x107: {  	s13 =	sadd.s32 @!p0 s2, s13;
	s18 =	simm.s32 @!p0 $0xB400;
	[sflag:s14] =	ssyncadd.s32 @!p0 $0xFFFFEC00  }
0x108: {  	[tilespmem:s18], [sflag:$0x3] =	stream.linear.gather @!p0 [hbm4b:s13+s17], $0x1400, $0x38;
	[tilespmem:$0x15E00] =	vst v63  }
0x109: {  	s17 =	sshra.s32 s12, $0x2;
	_ =	swait.ge @!p0 [sflag:s14], $0x1400  }
0x10a: {  	s18 =	sshra.s32 s11, $0x2;
	s12 =	sadd.s32 $0xB400, s17;
	[sflag:s14] =	ssyncset.done @!p0 $0x0  }
0x10b: {  	s12 =	sadd.s32 s18, s12;
	[sflag:s14] =	ssyncadd.s32 @!p0 $0xFFFFEC00  }
0x10c: {  	v3 =	vld [tilespmem:s12+$0x100];
	_ =	sdelay $0x1  }
0x10d: {  	s13 =	sadd.s32 $0xA000, s17  }
0x10e: {  	s13 =	sadd.s32 s18, s13  }
0x10f: {  	v4 =	vld [tilespmem:s13+$0x100]  }
0x110: {  	v3 =	vsub.s32 v3, v0  }
0x111: {  	vm0 =	vlt.u32 v3, $0x1400  }
0x112: {  	v3 =	vnsel vm0, $0x0, v3;
	_ =	sdelay $0x1  }
0x113: {  	v4 =	vnsel vm0, $0x2710, v4  }
0x114: {  	[tilespmem:$0xC800] =	vst v4  }
0x115: {  	[tilespmem:$0xC900] =	vst v3  }
0x116: {  	[tilespmem:v3+s23+$0x0] =	vst.idx.add.f32.msk vm0, v2  }
0x117: {  	v3 =	vld [tilespmem:s12+$0x110];
	_ =	sdelay $0x3  }
0x118: {  	v4 =	vld [tilespmem:s13+$0x110]  }
0x119: {  	v3 =	vsub.s32 v3, v0  }
0x11a: {  	vm9 =	vlt.u32 v3, $0x1400  }
0x11b: {  	v3 =	vnsel vm9, $0x0, v3;
	_ =	sdelay $0x1  }
0x11c: {  	v4 =	vnsel vm9, $0x2710, v4  }
0x11d: {  	[tilespmem:$0xC810] =	vst v4  }
0x11e: {  	[tilespmem:$0xC910] =	vst v3  }
0x11f: {  	[tilespmem:v3+s23+$0x0] =	vst.idx.add.f32.msk vm9, v2  }
0x120: {  	v3 =	vld [tilespmem:s12+$0x120];
	_ =	sdelay $0x3  }
0x121: {  	v4 =	vld [tilespmem:s13+$0x120]  }
0x122: {  	v3 =	vsub.s32 v3, v0  }
0x123: {  	vm10 =	vlt.u32 v3, $0x1400  }
0x124: {  	v3 =	vnsel vm10, $0x0, v3;
	_ =	sdelay $0x1  }
0x125: {  	v4 =	vnsel vm10, $0x2710, v4  }
0x126: {  	[tilespmem:$0xC820] =	vst v4  }
0x127: {  	[tilespmem:$0xC920] =	vst v3  }
0x128: {  	[tilespmem:v3+s23+$0x0] =	vst.idx.add.f32.msk vm10, v2  }
0x129: {  	v3 =	vld [tilespmem:s12+$0x130];
	_ =	sdelay $0x3  }
0x12a: {  	v4 =	vld [tilespmem:s13+$0x130]  }
0x12b: {  	v3 =	vsub.s32 v3, v0  }
0x12c: {  	vm11 =	vlt.u32 v3, $0x1400  }
0x12d: {  	v3 =	vnsel vm11, $0x0, v3;
	_ =	sdelay $0x1  }
0x12e: {  	v4 =	vnsel vm11, $0x2710, v4  }
0x12f: {  	[tilespmem:$0xC830] =	vst v4  }
0x130: {  	[tilespmem:$0xC930] =	vst v3  }
0x131: {  	[tilespmem:v3+s23+$0x0] =	vst.idx.add.f32.msk vm11, v2  }
0x132: {  	v3 =	vld [tilespmem:s12+$0x140];
	_ =	sdelay $0x3  }
0x133: {  	v4 =	vld [tilespmem:s13+$0x140]  }
0x134: {  	v3 =	vsub.s32 v3, v0  }
0x135: {  	vm12 =	vlt.u32 v3, $0x1400  }
0x136: {  	v3 =	vnsel vm12, $0x0, v3;
	_ =	sdelay $0x1  }
0x137: {  	v4 =	vnsel vm12, $0x2710, v4  }
0x138: {  	[tilespmem:$0xC840] =	vst v4  }
0x139: {  	[tilespmem:$0xC940] =	vst v3  }
0x13a: {  	[tilespmem:v3+s23+$0x0] =	vst.idx.add.f32.msk vm12, v2  }
0x13b: {  	v3 =	vld [tilespmem:s12+$0x150];
	_ =	sdelay $0x3  }
0x13c: {  	v4 =	vld [tilespmem:s13+$0x150]  }
0x13d: {  	v3 =	vsub.s32 v3, v0  }
0x13e: {  	vm13 =	vlt.u32 v3, $0x1400  }
0x13f: {  	v3 =	vnsel vm13, $0x0, v3;
	_ =	sdelay $0x1  }
0x140: {  	v4 =	vnsel vm13, $0x2710, v4  }
0x141: {  	[tilespmem:$0xC850] =	vst v4  }
0x142: {  	[tilespmem:$0xC950] =	vst v3  }
0x143: {  	[tilespmem:v3+s23+$0x0] =	vst.idx.add.f32.msk vm13, v2  }
0x144: {  	v3 =	vld [tilespmem:s12+$0x160];
	_ =	sdelay $0x3  }
0x145: {  	v4 =	vld [tilespmem:s13+$0x160]  }
0x146: {  	v3 =	vsub.s32 v3, v0  }
0x147: {  	vm14 =	vlt.u32 v3, $0x1400  }
0x148: {  	v3 =	vnsel vm14, $0x0, v3;
	_ =	sdelay $0x1  }
0x149: {  	v4 =	vnsel vm14, $0x2710, v4  }
0x14a: {  	[tilespmem:$0xC860] =	vst v4  }
0x14b: {  	[tilespmem:$0xC960] =	vst v3  }
0x14c: {  	[tilespmem:v3+s23+$0x0] =	vst.idx.add.f32.msk vm14, v2  }
0x14d: {  	v3 =	vld [tilespmem:s12+$0x170];
	_ =	sdelay $0x3  }
0x14e: {  	v4 =	vld [tilespmem:s13+$0x170]  }
0x14f: {  	v3 =	vsub.s32 v3, v0  }
0x150: {  	vm15 =	vlt.u32 v3, $0x1400  }
0x151: {  	v3 =	vnsel vm15, $0x0, v3;
	_ =	sdelay $0x1  }
.Ltmp6:
0x152: {  	v4 =	vnsel vm15, $0x2710, v4;
	(pc) =	sbr.rel .LBB2_6-.Ltmp6, $4  }
0x153: {  	[tilespmem:$0xC870] =	vst v4  }
0x154: {  	[tilespmem:$0xC970] =	vst v3  }
0x155: {  	[tilespmem:v3+s23+$0x0] =	vst.idx.add.f32.msk vm15, v2  }
0x156: {  	[tilespmem:s26], [sflag:$0x1] =	stream.indirect.gather [hbm4b:s5+s24], $0x80, s25, s24, $0xb8;
	[tilespmem:$0x15E00] =	vst v63  }
.LBB2_8:
0x157: {  	_ =	sfence.sel $0x180000  }
0x158: {  	[bflag:$0x0] =	sbarrier.arrive $0xFFFF  }
0x159: {  	_ =	strace $0x90000047  }
0x15a: {  	s0 =	stileid.u32;
	[bflag:$0x2] =	sbarrier.arrive $0xFFFF  }
0x15b: {  	p0 =	sne.s32 s0, $0x0;
	s0 =	rddreg [dreg:$0x3]  }
0x15c: {  	s0 =	sadd.s32 @!p0 $0x100000, s0  }
0x15d: {  	[sflag:s0] =	ssyncadd.tile.s32 @!p0 $0x1;
	_ =	shalt  }
.Lfunc_end2:
_tile_overlayer_lowered:
.L_overlay_start_2:
0x15e: {  	(tag) =	ssettag $0x2  }
0x15f: {  	s0 =	rddreg [dreg:$0x0];
	s2 =	stileid.u32  }
0x160: {  	s1 =	rddreg [dreg:$0x1];
	p0 =	sne.s32 s2, $0x0  }
0x161: {  	s3 =	rddreg [dreg:$0x2];
	[bflag:$0x3] =	sbarrier.arrive $0xFFFF;
	s2 =	simm.s32 @!p0 $0x1C03  }
0x162: {  	[timem:s3], [sflag:s2] =	dma.local @!p0 [hbm:s0], s1  }
0x163: {  	s0 =	simm.s32 @!p0 $0x3  }
0x164: {  	_ =	swait.ge @!p0 [sflag:s0], s1  }
0x165: {  	s1 =	ssub.s32 @!p0 $0x0, s1;
	[sflag:s0] =	ssyncset.done @!p0 $0x0  }
0x166: {  	[sflag:s0] =	ssyncadd.s32 @!p0 s1  }
0x167: {  	[bflag:$0x3] =	sbarrier.arrive $0xFFFF  }
0x168: {  	_ =	shalt  }

</sc_bundles>
